<compile_context>
chip_gen: v7x
topology: tpu7x:2x2x1
jax: 0.10.2.dev20260603
libtpu: 0.0.44.dev20260713+nightly
codegen_flags: <defaults>
</compile_context>

<pallas_src>
import functools

import jax
import jax.numpy as jnp
from jax import lax
from jax.experimental import pallas as pl
from jax.experimental.pallas import tpu as pltpu
from jax.experimental.pallas import tpu_sc as plsc

_VOCAB = 100000
_D = 32
_NTOK = 512

_NC, _NS = 2, 16
_NW = _NC * _NS
_TOK_PER_W = _NTOK // _NW


def _build_sc_gather():
    mesh = plsc.VectorSubcoreMesh(core_axis_name="c", subcore_axis_name="s")

    @functools.partial(
        pl.kernel,
        mesh=mesh,
        compiler_params=pltpu.CompilerParams(needs_layout_passes=False),
        out_type=jax.ShapeDtypeStruct((_NTOK, _D), jnp.float32),
        scratch_types=[
            pltpu.VMEM((_TOK_PER_W,), jnp.int32),
            pltpu.VMEM((_TOK_PER_W, _D), jnp.float32),
            pltpu.SemaphoreType.DMA,
        ],
    )
    def sc_gather(table_hbm, idx_hbm, out_hbm, idx_v, rows_v, sem):
        wid = lax.axis_index("s") * _NC + lax.axis_index("c")
        base = wid * _TOK_PER_W
        pltpu.sync_copy(idx_hbm.at[pl.ds(base, _TOK_PER_W)], idx_v)
        ivec = idx_v[...]
        copies = []
        for t in range(_TOK_PER_W):
            copies.append(
                pltpu.make_async_copy(
                    table_hbm.at[pl.ds(ivec[t], 1)],
                    rows_v.at[pl.ds(t, 1)],
                    sem,
                )
            )
            copies[-1].start()
        for c in copies:
            c.wait()
        pltpu.sync_copy(rows_v, out_hbm.at[pl.ds(base, _TOK_PER_W)])

    return sc_gather


_TV = 4096
_NFULL = _VOCAB // _TV
_TAIL = _VOCAB - _NFULL * _TV
_NBUF = 6
assert _NFULL % _NBUF == 0


def _matmul_body(emb_ref, w_ref, b_ref, out_hbm, *rest):
    bufs = rest[:_NBUF]
    tail_buf = rest[_NBUF]
    sems = rest[_NBUF + 1]
    tsem = rest[_NBUF + 2]
    j = pl.program_id(0)

    for s in range(_NBUF):

        @pl.when(jnp.logical_and(j >= _NBUF, j % _NBUF == s))
        def _wait_slot(s=s):
            pltpu.make_async_copy(
                bufs[s],
                out_hbm.at[:, pl.ds((j - _NBUF) * _TV, _TV)],
                sems.at[s],
            ).wait()

    for s in range(_NBUF):

        @pl.when(jnp.logical_and(j < _NFULL, j % _NBUF == s))
        def _fill_slot(s=s):
            bufs[s][...] = (
                jnp.dot(
                    emb_ref[...],
                    w_ref[...],
                    preferred_element_type=jnp.float32,
                )
                + b_ref[...]
            )
            pltpu.make_async_copy(
                bufs[s],
                out_hbm.at[:, pl.ds(j * _TV, _TV)],
                sems.at[s],
            ).start()

    @pl.when(j == _NFULL)
    def _tail_and_drain():
        acc = (
            jnp.dot(
                emb_ref[...], w_ref[...], preferred_element_type=jnp.float32
            )
            + b_ref[...]
        )
        tail_buf[...] = acc[:, :_TAIL]
        pltpu.make_async_copy(
            tail_buf,
            out_hbm.at[:, pl.ds(_NFULL * _TV, _TAIL)],
            tsem,
        ).start()
        for s in range(1, _NBUF):
            pltpu.make_async_copy(
                bufs[s],
                out_hbm.at[:, pl.ds(0, _TV)],
                sems.at[s],
            ).wait()
        pltpu.make_async_copy(
            tail_buf,
            out_hbm.at[:, pl.ds(_NFULL * _TV, _TAIL)],
            tsem,
        ).wait()


@jax.jit
def kernel(x, table, W, b):
    B, T = x.shape
    idx = x.reshape(_NTOK)
    tok_emb = _build_sc_gather()(table, idx)

    logits = pl.pallas_call(
        _matmul_body,
        grid=(_NFULL + 1,),
        in_specs=[
            pl.BlockSpec((_NTOK, _D), lambda j: (0, 0)),
            pl.BlockSpec((_D, _TV), lambda j: (0, j)),
            pl.BlockSpec((1, _TV), lambda j: (0, j)),
        ],
        out_specs=pl.BlockSpec(memory_space=pl.ANY),
        out_shape=jax.ShapeDtypeStruct((_NTOK, _VOCAB), jnp.float32),
        scratch_shapes=(
            [pltpu.VMEM((_NTOK, _TV), jnp.float32) for _ in range(_NBUF)]
            + [
                pltpu.VMEM((_NTOK, _TAIL), jnp.float32),
                pltpu.SemaphoreType.DMA((_NBUF,)),
                pltpu.SemaphoreType.DMA,
            ]
        ),
        compiler_params=pltpu.CompilerParams(
            vmem_limit_bytes=128 * 1024 * 1024
        ),
    )(tok_emb, W, b.reshape(1, _VOCAB))
    return logits.reshape(B, T, _VOCAB)

# --- scband reference (transcript-rebuilt; emitter-appended) ---
"""Pipeline reference for scband-language-model-81338090652253 (READ-ONLY COPY).

The authoritative reference and input builder live on the scoring server;
editing this copy changes nothing except your own understanding.
"""

import jax, jax.numpy as jnp
import numpy as np

VOCAB = 100000
N_EMBD = 32
B = 16
T = 32


def setup_inputs(seed: int = 0) -> dict:
    key = jax.random.key(seed)
    k1, k2, k3 = jax.random.split(key, 3)
    x = jax.random.randint(k1, (B, T), 0, VOCAB, dtype=jnp.int32)
    # learned parameters
    table = jax.random.normal(k2, (VOCAB, N_EMBD), dtype=jnp.float32)
    W = jax.random.normal(k3, (N_EMBD, VOCAB), dtype=jnp.float32) * 0.02
    b = jnp.zeros((VOCAB,), dtype=jnp.float32)
    return {"x": x, "table": table, "W": W, "b": b}


def reference(x, table, W, b):
    # token embedding lookup (gather)
    tok_emb = jnp.take(table, x, axis=0)          # [B, T, n_embd]
    # lm_head projection to vocab logits
    logits = tok_emb @ W + b                       # [B, T, vocab]
    # targets=None path: loss is None, return logits only
    return logits

if __name__ == "__main__":
    import jax
    _d = setup_inputs()
    print(jax.jit(kernel)(*tuple(_d.values())))

</pallas_src>

<mosaic_0001>
#map = affine_map<(d0, d1) -> (0, 0)>
#map1 = affine_map<(d0, d1) -> (0)>
module attributes {stable_mosaic.version = 14 : i64} {
  func.func @sc_gather(%arg0: i32, %arg1: i32, %arg2: memref<100000x32xf32, #tpu.memory_space<hbm>>, %arg3: memref<512xi32, #tpu.memory_space<hbm>>, %arg4: memref<512x32xf32, #tpu.memory_space<hbm>>, %arg5: memref<16xi32, #tpu.memory_space<vmem>>, %arg6: memref<16x32xf32, #tpu.memory_space<vmem>>, %arg7: memref<!tpu.dma_semaphore, #tpu.memory_space<semaphore_mem>>) attributes {dimension_semantics = [#tpu.dimension_semantics<core_parallel>, #tpu.dimension_semantics<subcore_parallel>], iteration_bounds = array<i64: 2, 16>, scalar_prefetch = 0 : i64, scratch_operands = 3 : i64, tpu.core_type = #tpu.core_type<sc_vector_subcore>, window_params = [{transform_indices = #map}, {transform_indices = #map1}, {transform_indices = #map}]} {
    %mul3A = arith.constant 2 : i32
    %mul3A_0 = arith.muli %arg1, %mul3A : i32
    %add3A = arith.addi %mul3A_0, %arg0 : i32
    %mul3A_1 = arith.constant 16 : i32
    %mul3A_2 = arith.muli %add3A, %mul3A_1 : i32
    "tpu.region"() ({
      %run_scoped3A = tpu.sem_alloc : memref<!tpu.dma_semaphore, #tpu.memory_space<semaphore_mem>>
      %dma_start3A_352 = tpu.memref_slice %arg3[%mul3A_2] : memref<512xi32, #tpu.memory_space<hbm>> -> memref<16xi32, #tpu.memory_space<hbm>>
      %dma_start3A_353 = tpu.memref_slice %arg3[%mul3A_2] : memref<512xi32, #tpu.memory_space<hbm>> -> memref<16xi32, #tpu.memory_space<hbm>>
      tpu.enqueue_dma source(%dma_start3A_353 : memref<16xi32, #tpu.memory_space<hbm>>) target(%arg5 : memref<16xi32, #tpu.memory_space<vmem>>) target_semaphore(%run_scoped3A : memref<!tpu.dma_semaphore, #tpu.memory_space<semaphore_mem>>)
      %dma_wait3A_354 = tpu.memref_slice %arg3[%mul3A_2] : memref<512xi32, #tpu.memory_space<hbm>> -> memref<16xi32, #tpu.memory_space<hbm>>
      %dma_wait3A_355 = tpu.memref_slice %arg3[%mul3A_2] : memref<512xi32, #tpu.memory_space<hbm>> -> memref<16xi32, #tpu.memory_space<hbm>>
      tpu.wait_dma2 semaphore(%run_scoped3A : memref<!tpu.dma_semaphore, #tpu.memory_space<semaphore_mem>>) src(%dma_wait3A_355 : memref<16xi32, #tpu.memory_space<hbm>>) dst(%arg5 : memref<16xi32, #tpu.memory_space<vmem>>)
      tpu.yield
    }) : () -> ()
    %get3A = arith.constant 0 : index
    %get3A_3 = tpu.vector_load %arg5[%get3A] {strides = array<i32>} : memref<16xi32, #tpu.memory_space<vmem>>, vector<16xi32>,
    %slice3A = vector.extract_strided_slice %get3A_3 {offsets = [0], sizes = [1], strides = [1]} : vector<16xi32> to vector<1xi32>
    %squeeze3A = vector.extract %slice3A[0] : i32 from vector<1xi32>
    %dma_start3A = arith.constant 0 : i32
    %dma_start3A_4 = arith.constant 0 : i32
    %dma_start3A_5 = tpu.memref_slice %arg6[%dma_start3A, %dma_start3A_4] : memref<16x32xf32, #tpu.memory_space<vmem>> -> memref<1x32xf32, #tpu.memory_space<vmem>>
    %dma_start3A_6 = arith.constant 0 : i32
    %dma_start3A_7 = tpu.memref_slice %arg2[%squeeze3A, %dma_start3A_6] : memref<100000x32xf32, #tpu.memory_space<hbm>> -> memref<1x32xf32, #tpu.memory_space<hbm>>
    %dma_start3A_8 = arith.constant 0 : i32
    %dma_start3A_9 = arith.constant 0 : i32
    %dma_start3A_10 = tpu.memref_slice %arg6[%dma_start3A_8, %dma_start3A_9] : memref<16x32xf32, #tpu.memory_space<vmem>> -> memref<1x32xf32, #tpu.memory_space<vmem>>
    %dma_start3A_11 = arith.constant 0 : i32
    %dma_start3A_12 = tpu.memref_slice %arg2[%squeeze3A, %dma_start3A_11] : memref<100000x32xf32, #tpu.memory_space<hbm>> -> memref<1x32xf32, #tpu.memory_space<hbm>>
    tpu.enqueue_dma source(%dma_start3A_12 : memref<1x32xf32, #tpu.memory_space<hbm>>) target(%dma_start3A_10 : memref<1x32xf32, #tpu.memory_space<vmem>>) target_semaphore(%arg7 : memref<!tpu.dma_semaphore, #tpu.memory_space<semaphore_mem>>)
    %slice3A_13 = vector.extract_strided_slice %get3A_3 {offsets = [1], sizes = [1], strides = [1]} : vector<16xi32> to vector<1xi32>
    %squeeze3A_14 = vector.extract %slice3A_13[0] : i32 from vector<1xi32>
    %dma_start3A_15 = arith.constant 1 : i32
    %dma_start3A_16 = arith.constant 0 : i32
    %dma_start3A_17 = tpu.memref_slice %arg6[%dma_start3A_15, %dma_start3A_16] : memref<16x32xf32, #tpu.memory_space<vmem>> -> memref<1x32xf32, #tpu.memory_space<vmem>>
    %dma_start3A_18 = arith.constant 0 : i32
    %dma_start3A_19 = tpu.memref_slice %arg2[%squeeze3A_14, %dma_start3A_18] : memref<100000x32xf32, #tpu.memory_space<hbm>> -> memref<1x32xf32, #tpu.memory_space<hbm>>
    %dma_start3A_20 = arith.constant 1 : i32
    %dma_start3A_21 = arith.constant 0 : i32
    %dma_start3A_22 = tpu.memref_slice %arg6[%dma_start3A_20, %dma_start3A_21] : memref<16x32xf32, #tpu.memory_space<vmem>> -> memref<1x32xf32, #tpu.memory_space<vmem>>
    %dma_start3A_23 = arith.constant 0 : i32
    %dma_start3A_24 = tpu.memref_slice %arg2[%squeeze3A_14, %dma_start3A_23] : memref<100000x32xf32, #tpu.memory_space<hbm>> -> memref<1x32xf32, #tpu.memory_space<hbm>>
    tpu.enqueue_dma source(%dma_start3A_24 : memref<1x32xf32, #tpu.memory_space<hbm>>) target(%dma_start3A_22 : memref<1x32xf32, #tpu.memory_space<vmem>>) target_semaphore(%arg7 : memref<!tpu.dma_semaphore, #tpu.memory_space<semaphore_mem>>)
    %slice3A_25 = vector.extract_strided_slice %get3A_3 {offsets = [2], sizes = [1], strides = [1]} : vector<16xi32> to vector<1xi32>
    %squeeze3A_26 = vector.extract %slice3A_25[0] : i32 from vector<1xi32>
    %dma_start3A_27 = arith.constant 2 : i32
    %dma_start3A_28 = arith.constant 0 : i32
    %dma_start3A_29 = tpu.memref_slice %arg6[%dma_start3A_27, %dma_start3A_28] : memref<16x32xf32, #tpu.memory_space<vmem>> -> memref<1x32xf32, #tpu.memory_space<vmem>>
    %dma_start3A_30 = arith.constant 0 : i32
    %dma_start3A_31 = tpu.memref_slice %arg2[%squeeze3A_26, %dma_start3A_30] : memref<100000x32xf32, #tpu.memory_space<hbm>> -> memref<1x32xf32, #tpu.memory_space<hbm>>
    %dma_start3A_32 = arith.constant 2 : i32
    %dma_start3A_33 = arith.constant 0 : i32
    %dma_start3A_34 = tpu.memref_slice %arg6[%dma_start3A_32, %dma_start3A_33] : memref<16x32xf32, #tpu.memory_space<vmem>> -> memref<1x32xf32, #tpu.memory_space<vmem>>
    %dma_start3A_35 = arith.constant 0 : i32
    %dma_start3A_36 = tpu.memref_slice %arg2[%squeeze3A_26, %dma_start3A_35] : memref<100000x32xf32, #tpu.memory_space<hbm>> -> memref<1x32xf32, #tpu.memory_space<hbm>>
    tpu.enqueue_dma source(%dma_start3A_36 : memref<1x32xf32, #tpu.memory_space<hbm>>) target(%dma_start3A_34 : memref<1x32xf32, #tpu.memory_space<vmem>>) target_semaphore(%arg7 : memref<!tpu.dma_semaphore, #tpu.memory_space<semaphore_mem>>)
    %slice3A_37 = vector.extract_strided_slice %get3A_3 {offsets = [3], sizes = [1], strides = [1]} : vector<16xi32> to vector<1xi32>
    %squeeze3A_38 = vector.extract %slice3A_37[0] : i32 from vector<1xi32>
    %dma_start3A_39 = arith.constant 3 : i32
    %dma_start3A_40 = arith.constant 0 : i32
    %dma_start3A_41 = tpu.memref_slice %arg6[%dma_start3A_39, %dma_start3A_40] : memref<16x32xf32, #tpu.memory_space<vmem>> -> memref<1x32xf32, #tpu.memory_space<vmem>>
    %dma_start3A_42 = arith.constant 0 : i32
    %dma_start3A_43 = tpu.memref_slice %arg2[%squeeze3A_38, %dma_start3A_42] : memref<100000x32xf32, #tpu.memory_space<hbm>> -> memref<1x32xf32, #tpu.memory_space<hbm>>
    %dma_start3A_44 = arith.constant 3 : i32
    %dma_start3A_45 = arith.constant 0 : i32
    %dma_start3A_46 = tpu.memref_slice %arg6[%dma_start3A_44, %dma_start3A_45] : memref<16x32xf32, #tpu.memory_space<vmem>> -> memref<1x32xf32, #tpu.memory_space<vmem>>
    %dma_start3A_47 = arith.constant 0 : i32
    %dma_start3A_48 = tpu.memref_slice %arg2[%squeeze3A_38, %dma_start3A_47] : memref<100000x32xf32, #tpu.memory_space<hbm>> -> memref<1x32xf32, #tpu.memory_space<hbm>>
    tpu.enqueue_dma source(%dma_start3A_48 : memref<1x32xf32, #tpu.memory_space<hbm>>) target(%dma_start3A_46 : memref<1x32xf32, #tpu.memory_space<vmem>>) target_semaphore(%arg7 : memref<!tpu.dma_semaphore, #tpu.memory_space<semaphore_mem>>)
    %slice3A_49 = vector.extract_strided_slice %get3A_3 {offsets = [4], sizes = [1], strides = [1]} : vector<16xi32> to vector<1xi32>
    %squeeze3A_50 = vector.extract %slice3A_49[0] : i32 from vector<1xi32>
    %dma_start3A_51 = arith.constant 4 : i32
    %dma_start3A_52 = arith.constant 0 : i32
    %dma_start3A_53 = tpu.memref_slice %arg6[%dma_start3A_51, %dma_start3A_52] : memref<16x32xf32, #tpu.memory_space<vmem>> -> memref<1x32xf32, #tpu.memory_space<vmem>>
    %dma_start3A_54 = arith.constant 0 : i32
    %dma_start3A_55 = tpu.memref_slice %arg2[%squeeze3A_50, %dma_start3A_54] : memref<100000x32xf32, #tpu.memory_space<hbm>> -> memref<1x32xf32, #tpu.memory_space<hbm>>
    %dma_start3A_56 = arith.constant 4 : i32
    %dma_start3A_57 = arith.constant 0 : i32
    %dma_start3A_58 = tpu.memref_slice %arg6[%dma_start3A_56, %dma_start3A_57] : memref<16x32xf32, #tpu.memory_space<vmem>> -> memref<1x32xf32, #tpu.memory_space<vmem>>
    %dma_start3A_59 = arith.constant 0 : i32
    %dma_start3A_60 = tpu.memref_slice %arg2[%squeeze3A_50, %dma_start3A_59] : memref<100000x32xf32, #tpu.memory_space<hbm>> -> memref<1x32xf32, #tpu.memory_space<hbm>>
    tpu.enqueue_dma source(%dma_start3A_60 : memref<1x32xf32, #tpu.memory_space<hbm>>) target(%dma_start3A_58 : memref<1x32xf32, #tpu.memory_space<vmem>>) target_semaphore(%arg7 : memref<!tpu.dma_semaphore, #tpu.memory_space<semaphore_mem>>)
    %slice3A_61 = vector.extract_strided_slice %get3A_3 {offsets = [5], sizes = [1], strides = [1]} : vector<16xi32> to vector<1xi32>
    %squeeze3A_62 = vector.extract %slice3A_61[0] : i32 from vector<1xi32>
    %dma_start3A_63 = arith.constant 5 : i32
    %dma_start3A_64 = arith.constant 0 : i32
    %dma_start3A_65 = tpu.memref_slice %arg6[%dma_start3A_63, %dma_start3A_64] : memref<16x32xf32, #tpu.memory_space<vmem>> -> memref<1x32xf32, #tpu.memory_space<vmem>>
    %dma_start3A_66 = arith.constant 0 : i32
    %dma_start3A_67 = tpu.memref_slice %arg2[%squeeze3A_62, %dma_start3A_66] : memref<100000x32xf32, #tpu.memory_space<hbm>> -> memref<1x32xf32, #tpu.memory_space<hbm>>
    %dma_start3A_68 = arith.constant 5 : i32
    %dma_start3A_69 = arith.constant 0 : i32
    %dma_start3A_70 = tpu.memref_slice %arg6[%dma_start3A_68, %dma_start3A_69] : memref<16x32xf32, #tpu.memory_space<vmem>> -> memref<1x32xf32, #tpu.memory_space<vmem>>
    %dma_start3A_71 = arith.constant 0 : i32
    %dma_start3A_72 = tpu.memref_slice %arg2[%squeeze3A_62, %dma_start3A_71] : memref<100000x32xf32, #tpu.memory_space<hbm>> -> memref<1x32xf32, #tpu.memory_space<hbm>>
    tpu.enqueue_dma source(%dma_start3A_72 : memref<1x32xf32, #tpu.memory_space<hbm>>) target(%dma_start3A_70 : memref<1x32xf32, #tpu.memory_space<vmem>>) target_semaphore(%arg7 : memref<!tpu.dma_semaphore, #tpu.memory_space<semaphore_mem>>)
    %slice3A_73 = vector.extract_strided_slice %get3A_3 {offsets = [6], sizes = [1], strides = [1]} : vector<16xi32> to vector<1xi32>
    %squeeze3A_74 = vector.extract %slice3A_73[0] : i32 from vector<1xi32>
    %dma_start3A_75 = arith.constant 6 : i32
    %dma_start3A_76 = arith.constant 0 : i32
    %dma_start3A_77 = tpu.memref_slice %arg6[%dma_start3A_75, %dma_start3A_76] : memref<16x32xf32, #tpu.memory_space<vmem>> -> memref<1x32xf32, #tpu.memory_space<vmem>>
    %dma_start3A_78 = arith.constant 0 : i32
    %dma_start3A_79 = tpu.memref_slice %arg2[%squeeze3A_74, %dma_start3A_78] : memref<100000x32xf32, #tpu.memory_space<hbm>> -> memref<1x32xf32, #tpu.memory_space<hbm>>
    %dma_start3A_80 = arith.constant 6 : i32
    %dma_start3A_81 = arith.constant 0 : i32
    %dma_start3A_82 = tpu.memref_slice %arg6[%dma_start3A_80, %dma_start3A_81] : memref<16x32xf32, #tpu.memory_space<vmem>> -> memref<1x32xf32, #tpu.memory_space<vmem>>
    %dma_start3A_83 = arith.constant 0 : i32
    %dma_start3A_84 = tpu.memref_slice %arg2[%squeeze3A_74, %dma_start3A_83] : memref<100000x32xf32, #tpu.memory_space<hbm>> -> memref<1x32xf32, #tpu.memory_space<hbm>>
    tpu.enqueue_dma source(%dma_start3A_84 : memref<1x32xf32, #tpu.memory_space<hbm>>) target(%dma_start3A_82 : memref<1x32xf32, #tpu.memory_space<vmem>>) target_semaphore(%arg7 : memref<!tpu.dma_semaphore, #tpu.memory_space<semaphore_mem>>)
    %slice3A_85 = vector.extract_strided_slice %get3A_3 {offsets = [7], sizes = [1], strides = [1]} : vector<16xi32> to vector<1xi32>
    %squeeze3A_86 = vector.extract %slice3A_85[0] : i32 from vector<1xi32>
    %dma_start3A_87 = arith.constant 7 : i32
    %dma_start3A_88 = arith.constant 0 : i32
    %dma_start3A_89 = tpu.memref_slice %arg6[%dma_start3A_87, %dma_start3A_88] : memref<16x32xf32, #tpu.memory_space<vmem>> -> memref<1x32xf32, #tpu.memory_space<vmem>>
    %dma_start3A_90 = arith.constant 0 : i32
    %dma_start3A_91 = tpu.memref_slice %arg2[%squeeze3A_86, %dma_start3A_90] : memref<100000x32xf32, #tpu.memory_space<hbm>> -> memref<1x32xf32, #tpu.memory_space<hbm>>
    %dma_start3A_92 = arith.constant 7 : i32
    %dma_start3A_93 = arith.constant 0 : i32
    %dma_start3A_94 = tpu.memref_slice %arg6[%dma_start3A_92, %dma_start3A_93] : memref<16x32xf32, #tpu.memory_space<vmem>> -> memref<1x32xf32, #tpu.memory_space<vmem>>
    %dma_start3A_95 = arith.constant 0 : i32
    %dma_start3A_96 = tpu.memref_slice %arg2[%squeeze3A_86, %dma_start3A_95] : memref<100000x32xf32, #tpu.memory_space<hbm>> -> memref<1x32xf32, #tpu.memory_space<hbm>>
    tpu.enqueue_dma source(%dma_start3A_96 : memref<1x32xf32, #tpu.memory_space<hbm>>) target(%dma_start3A_94 : memref<1x32xf32, #tpu.memory_space<vmem>>) target_semaphore(%arg7 : memref<!tpu.dma_semaphore, #tpu.memory_space<semaphore_mem>>)
    %slice3A_97 = vector.extract_strided_slice %get3A_3 {offsets = [8], sizes = [1], strides = [1]} : vector<16xi32> to vector<1xi32>
    %squeeze3A_98 = vector.extract %slice3A_97[0] : i32 from vector<1xi32>
    %dma_start3A_99 = arith.constant 8 : i32
    %dma_start3A_100 = arith.constant 0 : i32
    %dma_start3A_101 = tpu.memref_slice %arg6[%dma_start3A_99, %dma_start3A_100] : memref<16x32xf32, #tpu.memory_space<vmem>> -> memref<1x32xf32, #tpu.memory_space<vmem>>
    %dma_start3A_102 = arith.constant 0 : i32
    %dma_start3A_103 = tpu.memref_slice %arg2[%squeeze3A_98, %dma_start3A_102] : memref<100000x32xf32, #tpu.memory_space<hbm>> -> memref<1x32xf32, #tpu.memory_space<hbm>>
    %dma_start3A_104 = arith.constant 8 : i32
    %dma_start3A_105 = arith.constant 0 : i32
    %dma_start3A_106 = tpu.memref_slice %arg6[%dma_start3A_104, %dma_start3A_105] : memref<16x32xf32, #tpu.memory_space<vmem>> -> memref<1x32xf32, #tpu.memory_space<vmem>>
    %dma_start3A_107 = arith.constant 0 : i32
    %dma_start3A_108 = tpu.memref_slice %arg2[%squeeze3A_98, %dma_start3A_107] : memref<100000x32xf32, #tpu.memory_space<hbm>> -> memref<1x32xf32, #tpu.memory_space<hbm>>
    tpu.enqueue_dma source(%dma_start3A_108 : memref<1x32xf32, #tpu.memory_space<hbm>>) target(%dma_start3A_106 : memref<1x32xf32, #tpu.memory_space<vmem>>) target_semaphore(%arg7 : memref<!tpu.dma_semaphore, #tpu.memory_space<semaphore_mem>>)
    %slice3A_109 = vector.extract_strided_slice %get3A_3 {offsets = [9], sizes = [1], strides = [1]} : vector<16xi32> to vector<1xi32>
    %squeeze3A_110 = vector.extract %slice3A_109[0] : i32 from vector<1xi32>
    %dma_start3A_111 = arith.constant 9 : i32
    %dma_start3A_112 = arith.constant 0 : i32
    %dma_start3A_113 = tpu.memref_slice %arg6[%dma_start3A_111, %dma_start3A_112] : memref<16x32xf32, #tpu.memory_space<vmem>> -> memref<1x32xf32, #tpu.memory_space<vmem>>
    %dma_start3A_114 = arith.constant 0 : i32
    %dma_start3A_115 = tpu.memref_slice %arg2[%squeeze3A_110, %dma_start3A_114] : memref<100000x32xf32, #tpu.memory_space<hbm>> -> memref<1x32xf32, #tpu.memory_space<hbm>>
    %dma_start3A_116 = arith.constant 9 : i32
    %dma_start3A_117 = arith.constant 0 : i32
    %dma_start3A_118 = tpu.memref_slice %arg6[%dma_start3A_116, %dma_start3A_117] : memref<16x32xf32, #tpu.memory_space<vmem>> -> memref<1x32xf32, #tpu.memory_space<vmem>>
    %dma_start3A_119 = arith.constant 0 : i32
    %dma_start3A_120 = tpu.memref_slice %arg2[%squeeze3A_110, %dma_start3A_119] : memref<100000x32xf32, #tpu.memory_space<hbm>> -> memref<1x32xf32, #tpu.memory_space<hbm>>
    tpu.enqueue_dma source(%dma_start3A_120 : memref<1x32xf32, #tpu.memory_space<hbm>>) target(%dma_start3A_118 : memref<1x32xf32, #tpu.memory_space<vmem>>) target_semaphore(%arg7 : memref<!tpu.dma_semaphore, #tpu.memory_space<semaphore_mem>>)
    %slice3A_121 = vector.extract_strided_slice %get3A_3 {offsets = [10], sizes = [1], strides = [1]} : vector<16xi32> to vector<1xi32>
    %squeeze3A_122 = vector.extract %slice3A_121[0] : i32 from vector<1xi32>
    %dma_start3A_123 = arith.constant 10 : i32
    %dma_start3A_124 = arith.constant 0 : i32
    %dma_start3A_125 = tpu.memref_slice %arg6[%dma_start3A_123, %dma_start3A_124] : memref<16x32xf32, #tpu.memory_space<vmem>> -> memref<1x32xf32, #tpu.memory_space<vmem>>
    %dma_start3A_126 = arith.constant 0 : i32
    %dma_start3A_127 = tpu.memref_slice %arg2[%squeeze3A_122, %dma_start3A_126] : memref<100000x32xf32, #tpu.memory_space<hbm>> -> memref<1x32xf32, #tpu.memory_space<hbm>>
    %dma_start3A_128 = arith.constant 10 : i32
    %dma_start3A_129 = arith.constant 0 : i32
    %dma_start3A_130 = tpu.memref_slice %arg6[%dma_start3A_128, %dma_start3A_129] : memref<16x32xf32, #tpu.memory_space<vmem>> -> memref<1x32xf32, #tpu.memory_space<vmem>>
    %dma_start3A_131 = arith.constant 0 : i32
    %dma_start3A_132 = tpu.memref_slice %arg2[%squeeze3A_122, %dma_start3A_131] : memref<100000x32xf32, #tpu.memory_space<hbm>> -> memref<1x32xf32, #tpu.memory_space<hbm>>
    tpu.enqueue_dma source(%dma_start3A_132 : memref<1x32xf32, #tpu.memory_space<hbm>>) target(%dma_start3A_130 : memref<1x32xf32, #tpu.memory_space<vmem>>) target_semaphore(%arg7 : memref<!tpu.dma_semaphore, #tpu.memory_space<semaphore_mem>>)
    %slice3A_133 = vector.extract_strided_slice %get3A_3 {offsets = [11], sizes = [1], strides = [1]} : vector<16xi32> to vector<1xi32>
    %squeeze3A_134 = vector.extract %slice3A_133[0] : i32 from vector<1xi32>
    %dma_start3A_135 = arith.constant 11 : i32
    %dma_start3A_136 = arith.constant 0 : i32
    %dma_start3A_137 = tpu.memref_slice %arg6[%dma_start3A_135, %dma_start3A_136] : memref<16x32xf32, #tpu.memory_space<vmem>> -> memref<1x32xf32, #tpu.memory_space<vmem>>
    %dma_start3A_138 = arith.constant 0 : i32
    %dma_start3A_139 = tpu.memref_slice %arg2[%squeeze3A_134, %dma_start3A_138] : memref<100000x32xf32, #tpu.memory_space<hbm>> -> memref<1x32xf32, #tpu.memory_space<hbm>>
    %dma_start3A_140 = arith.constant 11 : i32
    %dma_start3A_141 = arith.constant 0 : i32
    %dma_start3A_142 = tpu.memref_slice %arg6[%dma_start3A_140, %dma_start3A_141] : memref<16x32xf32, #tpu.memory_space<vmem>> -> memref<1x32xf32, #tpu.memory_space<vmem>>
    %dma_start3A_143 = arith.constant 0 : i32
    %dma_start3A_144 = tpu.memref_slice %arg2[%squeeze3A_134, %dma_start3A_143] : memref<100000x32xf32, #tpu.memory_space<hbm>> -> memref<1x32xf32, #tpu.memory_space<hbm>>
    tpu.enqueue_dma source(%dma_start3A_144 : memref<1x32xf32, #tpu.memory_space<hbm>>) target(%dma_start3A_142 : memref<1x32xf32, #tpu.memory_space<vmem>>) target_semaphore(%arg7 : memref<!tpu.dma_semaphore, #tpu.memory_space<semaphore_mem>>)
    %slice3A_145 = vector.extract_strided_slice %get3A_3 {offsets = [12], sizes = [1], strides = [1]} : vector<16xi32> to vector<1xi32>
    %squeeze3A_146 = vector.extract %slice3A_145[0] : i32 from vector<1xi32>
    %dma_start3A_147 = arith.constant 12 : i32
    %dma_start3A_148 = arith.constant 0 : i32
    %dma_start3A_149 = tpu.memref_slice %arg6[%dma_start3A_147, %dma_start3A_148] : memref<16x32xf32, #tpu.memory_space<vmem>> -> memref<1x32xf32, #tpu.memory_space<vmem>>
    %dma_start3A_150 = arith.constant 0 : i32
    %dma_start3A_151 = tpu.memref_slice %arg2[%squeeze3A_146, %dma_start3A_150] : memref<100000x32xf32, #tpu.memory_space<hbm>> -> memref<1x32xf32, #tpu.memory_space<hbm>>
    %dma_start3A_152 = arith.constant 12 : i32
    %dma_start3A_153 = arith.constant 0 : i32
    %dma_start3A_154 = tpu.memref_slice %arg6[%dma_start3A_152, %dma_start3A_153] : memref<16x32xf32, #tpu.memory_space<vmem>> -> memref<1x32xf32, #tpu.memory_space<vmem>>
    %dma_start3A_155 = arith.constant 0 : i32
    %dma_start3A_156 = tpu.memref_slice %arg2[%squeeze3A_146, %dma_start3A_155] : memref<100000x32xf32, #tpu.memory_space<hbm>> -> memref<1x32xf32, #tpu.memory_space<hbm>>
    tpu.enqueue_dma source(%dma_start3A_156 : memref<1x32xf32, #tpu.memory_space<hbm>>) target(%dma_start3A_154 : memref<1x32xf32, #tpu.memory_space<vmem>>) target_semaphore(%arg7 : memref<!tpu.dma_semaphore, #tpu.memory_space<semaphore_mem>>)
    %slice3A_157 = vector.extract_strided_slice %get3A_3 {offsets = [13], sizes = [1], strides = [1]} : vector<16xi32> to vector<1xi32>
    %squeeze3A_158 = vector.extract %slice3A_157[0] : i32 from vector<1xi32>
    %dma_start3A_159 = arith.constant 13 : i32
    %dma_start3A_160 = arith.constant 0 : i32
    %dma_start3A_161 = tpu.memref_slice %arg6[%dma_start3A_159, %dma_start3A_160] : memref<16x32xf32, #tpu.memory_space<vmem>> -> memref<1x32xf32, #tpu.memory_space<vmem>>
    %dma_start3A_162 = arith.constant 0 : i32
    %dma_start3A_163 = tpu.memref_slice %arg2[%squeeze3A_158, %dma_start3A_162] : memref<100000x32xf32, #tpu.memory_space<hbm>> -> memref<1x32xf32, #tpu.memory_space<hbm>>
    %dma_start3A_164 = arith.constant 13 : i32
    %dma_start3A_165 = arith.constant 0 : i32
    %dma_start3A_166 = tpu.memref_slice %arg6[%dma_start3A_164, %dma_start3A_165] : memref<16x32xf32, #tpu.memory_space<vmem>> -> memref<1x32xf32, #tpu.memory_space<vmem>>
    %dma_start3A_167 = arith.constant 0 : i32
    %dma_start3A_168 = tpu.memref_slice %arg2[%squeeze3A_158, %dma_start3A_167] : memref<100000x32xf32, #tpu.memory_space<hbm>> -> memref<1x32xf32, #tpu.memory_space<hbm>>
    tpu.enqueue_dma source(%dma_start3A_168 : memref<1x32xf32, #tpu.memory_space<hbm>>) target(%dma_start3A_166 : memref<1x32xf32, #tpu.memory_space<vmem>>) target_semaphore(%arg7 : memref<!tpu.dma_semaphore, #tpu.memory_space<semaphore_mem>>)
    %slice3A_169 = vector.extract_strided_slice %get3A_3 {offsets = [14], sizes = [1], strides = [1]} : vector<16xi32> to vector<1xi32>
    %squeeze3A_170 = vector.extract %slice3A_169[0] : i32 from vector<1xi32>
    %dma_start3A_171 = arith.constant 14 : i32
    %dma_start3A_172 = arith.constant 0 : i32
    %dma_start3A_173 = tpu.memref_slice %arg6[%dma_start3A_171, %dma_start3A_172] : memref<16x32xf32, #tpu.memory_space<vmem>> -> memref<1x32xf32, #tpu.memory_space<vmem>>
    %dma_start3A_174 = arith.constant 0 : i32
    %dma_start3A_175 = tpu.memref_slice %arg2[%squeeze3A_170, %dma_start3A_174] : memref<100000x32xf32, #tpu.memory_space<hbm>> -> memref<1x32xf32, #tpu.memory_space<hbm>>
    %dma_start3A_176 = arith.constant 14 : i32
    %dma_start3A_177 = arith.constant 0 : i32
    %dma_start3A_178 = tpu.memref_slice %arg6[%dma_start3A_176, %dma_start3A_177] : memref<16x32xf32, #tpu.memory_space<vmem>> -> memref<1x32xf32, #tpu.memory_space<vmem>>
    %dma_start3A_179 = arith.constant 0 : i32
    %dma_start3A_180 = tpu.memref_slice %arg2[%squeeze3A_170, %dma_start3A_179] : memref<100000x32xf32, #tpu.memory_space<hbm>> -> memref<1x32xf32, #tpu.memory_space<hbm>>
    tpu.enqueue_dma source(%dma_start3A_180 : memref<1x32xf32, #tpu.memory_space<hbm>>) target(%dma_start3A_178 : memref<1x32xf32, #tpu.memory_space<vmem>>) target_semaphore(%arg7 : memref<!tpu.dma_semaphore, #tpu.memory_space<semaphore_mem>>)
    %slice3A_181 = vector.extract_strided_slice %get3A_3 {offsets = [15], sizes = [1], strides = [1]} : vector<16xi32> to vector<1xi32>
    %squeeze3A_182 = vector.extract %slice3A_181[0] : i32 from vector<1xi32>
    %dma_start3A_183 = arith.constant 15 : i32
    %dma_start3A_184 = arith.constant 0 : i32
    %dma_start3A_185 = tpu.memref_slice %arg6[%dma_start3A_183, %dma_start3A_184] : memref<16x32xf32, #tpu.memory_space<vmem>> -> memref<1x32xf32, #tpu.memory_space<vmem>>
    %dma_start3A_186 = arith.constant 0 : i32
    %dma_start3A_187 = tpu.memref_slice %arg2[%squeeze3A_182, %dma_start3A_186] : memref<100000x32xf32, #tpu.memory_space<hbm>> -> memref<1x32xf32, #tpu.memory_space<hbm>>
    %dma_start3A_188 = arith.constant 15 : i32
    %dma_start3A_189 = arith.constant 0 : i32
    %dma_start3A_190 = tpu.memref_slice %arg6[%dma_start3A_188, %dma_start3A_189] : memref<16x32xf32, #tpu.memory_space<vmem>> -> memref<1x32xf32, #tpu.memory_space<vmem>>
    %dma_start3A_191 = arith.constant 0 : i32
    %dma_start3A_192 = tpu.memref_slice %arg2[%squeeze3A_182, %dma_start3A_191] : memref<100000x32xf32, #tpu.memory_space<hbm>> -> memref<1x32xf32, #tpu.memory_space<hbm>>
    tpu.enqueue_dma source(%dma_start3A_192 : memref<1x32xf32, #tpu.memory_space<hbm>>) target(%dma_start3A_190 : memref<1x32xf32, #tpu.memory_space<vmem>>) target_semaphore(%arg7 : memref<!tpu.dma_semaphore, #tpu.memory_space<semaphore_mem>>)
    %dma_wait3A = arith.constant 0 : i32
    %dma_wait3A_193 = arith.constant 0 : i32
    %dma_wait3A_194 = tpu.memref_slice %arg6[%dma_wait3A, %dma_wait3A_193] : memref<16x32xf32, #tpu.memory_space<vmem>> -> memref<1x32xf32, #tpu.memory_space<vmem>>
    %dma_wait3A_195 = arith.constant 0 : i32
    %dma_wait3A_196 = tpu.memref_slice %arg2[%squeeze3A, %dma_wait3A_195] : memref<100000x32xf32, #tpu.memory_space<hbm>> -> memref<1x32xf32, #tpu.memory_space<hbm>>
    %dma_wait3A_197 = arith.constant 0 : i32
    %dma_wait3A_198 = arith.constant 0 : i32
    %dma_wait3A_199 = tpu.memref_slice %arg6[%dma_wait3A_197, %dma_wait3A_198] : memref<16x32xf32, #tpu.memory_space<vmem>> -> memref<1x32xf32, #tpu.memory_space<vmem>>
    %dma_wait3A_200 = arith.constant 0 : i32
    %dma_wait3A_201 = tpu.memref_slice %arg2[%squeeze3A, %dma_wait3A_200] : memref<100000x32xf32, #tpu.memory_space<hbm>> -> memref<1x32xf32, #tpu.memory_space<hbm>>
    tpu.wait_dma2 semaphore(%arg7 : memref<!tpu.dma_semaphore, #tpu.memory_space<semaphore_mem>>) src(%dma_wait3A_201 : memref<1x32xf32, #tpu.memory_space<hbm>>) dst(%dma_wait3A_199 : memref<1x32xf32, #tpu.memory_space<vmem>>)
    %dma_wait3A_202 = arith.constant 1 : i32
    %dma_wait3A_203 = arith.constant 0 : i32
    %dma_wait3A_204 = tpu.memref_slice %arg6[%dma_wait3A_202, %dma_wait3A_203] : memref<16x32xf32, #tpu.memory_space<vmem>> -> memref<1x32xf32, #tpu.memory_space<vmem>>
    %dma_wait3A_205 = arith.constant 0 : i32
    %dma_wait3A_206 = tpu.memref_slice %arg2[%squeeze3A_14, %dma_wait3A_205] : memref<100000x32xf32, #tpu.memory_space<hbm>> -> memref<1x32xf32, #tpu.memory_space<hbm>>
    %dma_wait3A_207 = arith.constant 1 : i32
    %dma_wait3A_208 = arith.constant 0 : i32
    %dma_wait3A_209 = tpu.memref_slice %arg6[%dma_wait3A_207, %dma_wait3A_208] : memref<16x32xf32, #tpu.memory_space<vmem>> -> memref<1x32xf32, #tpu.memory_space<vmem>>
    %dma_wait3A_210 = arith.constant 0 : i32
    %dma_wait3A_211 = tpu.memref_slice %arg2[%squeeze3A_14, %dma_wait3A_210] : memref<100000x32xf32, #tpu.memory_space<hbm>> -> memref<1x32xf32, #tpu.memory_space<hbm>>
    tpu.wait_dma2 semaphore(%arg7 : memref<!tpu.dma_semaphore, #tpu.memory_space<semaphore_mem>>) src(%dma_wait3A_211 : memref<1x32xf32, #tpu.memory_space<hbm>>) dst(%dma_wait3A_209 : memref<1x32xf32, #tpu.memory_space<vmem>>)
    %dma_wait3A_212 = arith.constant 2 : i32
    %dma_wait3A_213 = arith.constant 0 : i32
    %dma_wait3A_214 = tpu.memref_slice %arg6[%dma_wait3A_212, %dma_wait3A_213] : memref<16x32xf32, #tpu.memory_space<vmem>> -> memref<1x32xf32, #tpu.memory_space<vmem>>
    %dma_wait3A_215 = arith.constant 0 : i32
    %dma_wait3A_216 = tpu.memref_slice %arg2[%squeeze3A_26, %dma_wait3A_215] : memref<100000x32xf32, #tpu.memory_space<hbm>> -> memref<1x32xf32, #tpu.memory_space<hbm>>
    %dma_wait3A_217 = arith.constant 2 : i32
    %dma_wait3A_218 = arith.constant 0 : i32
    %dma_wait3A_219 = tpu.memref_slice %arg6[%dma_wait3A_217, %dma_wait3A_218] : memref<16x32xf32, #tpu.memory_space<vmem>> -> memref<1x32xf32, #tpu.memory_space<vmem>>
    %dma_wait3A_220 = arith.constant 0 : i32
    %dma_wait3A_221 = tpu.memref_slice %arg2[%squeeze3A_26, %dma_wait3A_220] : memref<100000x32xf32, #tpu.memory_space<hbm>> -> memref<1x32xf32, #tpu.memory_space<hbm>>
    tpu.wait_dma2 semaphore(%arg7 : memref<!tpu.dma_semaphore, #tpu.memory_space<semaphore_mem>>) src(%dma_wait3A_221 : memref<1x32xf32, #tpu.memory_space<hbm>>) dst(%dma_wait3A_219 : memref<1x32xf32, #tpu.memory_space<vmem>>)
    %dma_wait3A_222 = arith.constant 3 : i32
    %dma_wait3A_223 = arith.constant 0 : i32
    %dma_wait3A_224 = tpu.memref_slice %arg6[%dma_wait3A_222, %dma_wait3A_223] : memref<16x32xf32, #tpu.memory_space<vmem>> -> memref<1x32xf32, #tpu.memory_space<vmem>>
    %dma_wait3A_225 = arith.constant 0 : i32
    %dma_wait3A_226 = tpu.memref_slice %arg2[%squeeze3A_38, %dma_wait3A_225] : memref<100000x32xf32, #tpu.memory_space<hbm>> -> memref<1x32xf32, #tpu.memory_space<hbm>>
    %dma_wait3A_227 = arith.constant 3 : i32
    %dma_wait3A_228 = arith.constant 0 : i32
    %dma_wait3A_229 = tpu.memref_slice %arg6[%dma_wait3A_227, %dma_wait3A_228] : memref<16x32xf32, #tpu.memory_space<vmem>> -> memref<1x32xf32, #tpu.memory_space<vmem>>
    %dma_wait3A_230 = arith.constant 0 : i32
    %dma_wait3A_231 = tpu.memref_slice %arg2[%squeeze3A_38, %dma_wait3A_230] : memref<100000x32xf32, #tpu.memory_space<hbm>> -> memref<1x32xf32, #tpu.memory_space<hbm>>
    tpu.wait_dma2 semaphore(%arg7 : memref<!tpu.dma_semaphore, #tpu.memory_space<semaphore_mem>>) src(%dma_wait3A_231 : memref<1x32xf32, #tpu.memory_space<hbm>>) dst(%dma_wait3A_229 : memref<1x32xf32, #tpu.memory_space<vmem>>)
    %dma_wait3A_232 = arith.constant 4 : i32
    %dma_wait3A_233 = arith.constant 0 : i32
    %dma_wait3A_234 = tpu.memref_slice %arg6[%dma_wait3A_232, %dma_wait3A_233] : memref<16x32xf32, #tpu.memory_space<vmem>> -> memref<1x32xf32, #tpu.memory_space<vmem>>
    %dma_wait3A_235 = arith.constant 0 : i32
    %dma_wait3A_236 = tpu.memref_slice %arg2[%squeeze3A_50, %dma_wait3A_235] : memref<100000x32xf32, #tpu.memory_space<hbm>> -> memref<1x32xf32, #tpu.memory_space<hbm>>
    %dma_wait3A_237 = arith.constant 4 : i32
    %dma_wait3A_238 = arith.constant 0 : i32
    %dma_wait3A_239 = tpu.memref_slice %arg6[%dma_wait3A_237, %dma_wait3A_238] : memref<16x32xf32, #tpu.memory_space<vmem>> -> memref<1x32xf32, #tpu.memory_space<vmem>>
    %dma_wait3A_240 = arith.constant 0 : i32
    %dma_wait3A_241 = tpu.memref_slice %arg2[%squeeze3A_50, %dma_wait3A_240] : memref<100000x32xf32, #tpu.memory_space<hbm>> -> memref<1x32xf32, #tpu.memory_space<hbm>>
    tpu.wait_dma2 semaphore(%arg7 : memref<!tpu.dma_semaphore, #tpu.memory_space<semaphore_mem>>) src(%dma_wait3A_241 : memref<1x32xf32, #tpu.memory_space<hbm>>) dst(%dma_wait3A_239 : memref<1x32xf32, #tpu.memory_space<vmem>>)
    %dma_wait3A_242 = arith.constant 5 : i32
    %dma_wait3A_243 = arith.constant 0 : i32
    %dma_wait3A_244 = tpu.memref_slice %arg6[%dma_wait3A_242, %dma_wait3A_243] : memref<16x32xf32, #tpu.memory_space<vmem>> -> memref<1x32xf32, #tpu.memory_space<vmem>>
    %dma_wait3A_245 = arith.constant 0 : i32
    %dma_wait3A_246 = tpu.memref_slice %arg2[%squeeze3A_62, %dma_wait3A_245] : memref<100000x32xf32, #tpu.memory_space<hbm>> -> memref<1x32xf32, #tpu.memory_space<hbm>>
    %dma_wait3A_247 = arith.constant 5 : i32
    %dma_wait3A_248 = arith.constant 0 : i32
    %dma_wait3A_249 = tpu.memref_slice %arg6[%dma_wait3A_247, %dma_wait3A_248] : memref<16x32xf32, #tpu.memory_space<vmem>> -> memref<1x32xf32, #tpu.memory_space<vmem>>
    %dma_wait3A_250 = arith.constant 0 : i32
    %dma_wait3A_251 = tpu.memref_slice %arg2[%squeeze3A_62, %dma_wait3A_250] : memref<100000x32xf32, #tpu.memory_space<hbm>> -> memref<1x32xf32, #tpu.memory_space<hbm>>
    tpu.wait_dma2 semaphore(%arg7 : memref<!tpu.dma_semaphore, #tpu.memory_space<semaphore_mem>>) src(%dma_wait3A_251 : memref<1x32xf32, #tpu.memory_space<hbm>>) dst(%dma_wait3A_249 : memref<1x32xf32, #tpu.memory_space<vmem>>)
    %dma_wait3A_252 = arith.constant 6 : i32
    %dma_wait3A_253 = arith.constant 0 : i32
    %dma_wait3A_254 = tpu.memref_slice %arg6[%dma_wait3A_252, %dma_wait3A_253] : memref<16x32xf32, #tpu.memory_space<vmem>> -> memref<1x32xf32, #tpu.memory_space<vmem>>
    %dma_wait3A_255 = arith.constant 0 : i32
    %dma_wait3A_256 = tpu.memref_slice %arg2[%squeeze3A_74, %dma_wait3A_255] : memref<100000x32xf32, #tpu.memory_space<hbm>> -> memref<1x32xf32, #tpu.memory_space<hbm>>
    %dma_wait3A_257 = arith.constant 6 : i32
    %dma_wait3A_258 = arith.constant 0 : i32
    %dma_wait3A_259 = tpu.memref_slice %arg6[%dma_wait3A_257, %dma_wait3A_258] : memref<16x32xf32, #tpu.memory_space<vmem>> -> memref<1x32xf32, #tpu.memory_space<vmem>>
    %dma_wait3A_260 = arith.constant 0 : i32
    %dma_wait3A_261 = tpu.memref_slice %arg2[%squeeze3A_74, %dma_wait3A_260] : memref<100000x32xf32, #tpu.memory_space<hbm>> -> memref<1x32xf32, #tpu.memory_space<hbm>>
    tpu.wait_dma2 semaphore(%arg7 : memref<!tpu.dma_semaphore, #tpu.memory_space<semaphore_mem>>) src(%dma_wait3A_261 : memref<1x32xf32, #tpu.memory_space<hbm>>) dst(%dma_wait3A_259 : memref<1x32xf32, #tpu.memory_space<vmem>>)
    %dma_wait3A_262 = arith.constant 7 : i32
    %dma_wait3A_263 = arith.constant 0 : i32
    %dma_wait3A_264 = tpu.memref_slice %arg6[%dma_wait3A_262, %dma_wait3A_263] : memref<16x32xf32, #tpu.memory_space<vmem>> -> memref<1x32xf32, #tpu.memory_space<vmem>>
    %dma_wait3A_265 = arith.constant 0 : i32
    %dma_wait3A_266 = tpu.memref_slice %arg2[%squeeze3A_86, %dma_wait3A_265] : memref<100000x32xf32, #tpu.memory_space<hbm>> -> memref<1x32xf32, #tpu.memory_space<hbm>>
    %dma_wait3A_267 = arith.constant 7 : i32
    %dma_wait3A_268 = arith.constant 0 : i32
    %dma_wait3A_269 = tpu.memref_slice %arg6[%dma_wait3A_267, %dma_wait3A_268] : memref<16x32xf32, #tpu.memory_space<vmem>> -> memref<1x32xf32, #tpu.memory_space<vmem>>
    %dma_wait3A_270 = arith.constant 0 : i32
    %dma_wait3A_271 = tpu.memref_slice %arg2[%squeeze3A_86, %dma_wait3A_270] : memref<100000x32xf32, #tpu.memory_space<hbm>> -> memref<1x32xf32, #tpu.memory_space<hbm>>
    tpu.wait_dma2 semaphore(%arg7 : memref<!tpu.dma_semaphore, #tpu.memory_space<semaphore_mem>>) src(%dma_wait3A_271 : memref<1x32xf32, #tpu.memory_space<hbm>>) dst(%dma_wait3A_269 : memref<1x32xf32, #tpu.memory_space<vmem>>)
    %dma_wait3A_272 = arith.constant 8 : i32
    %dma_wait3A_273 = arith.constant 0 : i32
    %dma_wait3A_274 = tpu.memref_slice %arg6[%dma_wait3A_272, %dma_wait3A_273] : memref<16x32xf32, #tpu.memory_space<vmem>> -> memref<1x32xf32, #tpu.memory_space<vmem>>
    %dma_wait3A_275 = arith.constant 0 : i32
    %dma_wait3A_276 = tpu.memref_slice %arg2[%squeeze3A_98, %dma_wait3A_275] : memref<100000x32xf32, #tpu.memory_space<hbm>> -> memref<1x32xf32, #tpu.memory_space<hbm>>
    %dma_wait3A_277 = arith.constant 8 : i32
    %dma_wait3A_278 = arith.constant 0 : i32
    %dma_wait3A_279 = tpu.memref_slice %arg6[%dma_wait3A_277, %dma_wait3A_278] : memref<16x32xf32, #tpu.memory_space<vmem>> -> memref<1x32xf32, #tpu.memory_space<vmem>>
    %dma_wait3A_280 = arith.constant 0 : i32
    %dma_wait3A_281 = tpu.memref_slice %arg2[%squeeze3A_98, %dma_wait3A_280] : memref<100000x32xf32, #tpu.memory_space<hbm>> -> memref<1x32xf32, #tpu.memory_space<hbm>>
    tpu.wait_dma2 semaphore(%arg7 : memref<!tpu.dma_semaphore, #tpu.memory_space<semaphore_mem>>) src(%dma_wait3A_281 : memref<1x32xf32, #tpu.memory_space<hbm>>) dst(%dma_wait3A_279 : memref<1x32xf32, #tpu.memory_space<vmem>>)
    %dma_wait3A_282 = arith.constant 9 : i32
    %dma_wait3A_283 = arith.constant 0 : i32
    %dma_wait3A_284 = tpu.memref_slice %arg6[%dma_wait3A_282, %dma_wait3A_283] : memref<16x32xf32, #tpu.memory_space<vmem>> -> memref<1x32xf32, #tpu.memory_space<vmem>>
    %dma_wait3A_285 = arith.constant 0 : i32
    %dma_wait3A_286 = tpu.memref_slice %arg2[%squeeze3A_110, %dma_wait3A_285] : memref<100000x32xf32, #tpu.memory_space<hbm>> -> memref<1x32xf32, #tpu.memory_space<hbm>>
    %dma_wait3A_287 = arith.constant 9 : i32
    %dma_wait3A_288 = arith.constant 0 : i32
    %dma_wait3A_289 = tpu.memref_slice %arg6[%dma_wait3A_287, %dma_wait3A_288] : memref<16x32xf32, #tpu.memory_space<vmem>> -> memref<1x32xf32, #tpu.memory_space<vmem>>
    %dma_wait3A_290 = arith.constant 0 : i32
    %dma_wait3A_291 = tpu.memref_slice %arg2[%squeeze3A_110, %dma_wait3A_290] : memref<100000x32xf32, #tpu.memory_space<hbm>> -> memref<1x32xf32, #tpu.memory_space<hbm>>
    tpu.wait_dma2 semaphore(%arg7 : memref<!tpu.dma_semaphore, #tpu.memory_space<semaphore_mem>>) src(%dma_wait3A_291 : memref<1x32xf32, #tpu.memory_space<hbm>>) dst(%dma_wait3A_289 : memref<1x32xf32, #tpu.memory_space<vmem>>)
    %dma_wait3A_292 = arith.constant 10 : i32
    %dma_wait3A_293 = arith.constant 0 : i32
    %dma_wait3A_294 = tpu.memref_slice %arg6[%dma_wait3A_292, %dma_wait3A_293] : memref<16x32xf32, #tpu.memory_space<vmem>> -> memref<1x32xf32, #tpu.memory_space<vmem>>
    %dma_wait3A_295 = arith.constant 0 : i32
    %dma_wait3A_296 = tpu.memref_slice %arg2[%squeeze3A_122, %dma_wait3A_295] : memref<100000x32xf32, #tpu.memory_space<hbm>> -> memref<1x32xf32, #tpu.memory_space<hbm>>
    %dma_wait3A_297 = arith.constant 10 : i32
    %dma_wait3A_298 = arith.constant 0 : i32
    %dma_wait3A_299 = tpu.memref_slice %arg6[%dma_wait3A_297, %dma_wait3A_298] : memref<16x32xf32, #tpu.memory_space<vmem>> -> memref<1x32xf32, #tpu.memory_space<vmem>>
    %dma_wait3A_300 = arith.constant 0 : i32
    %dma_wait3A_301 = tpu.memref_slice %arg2[%squeeze3A_122, %dma_wait3A_300] : memref<100000x32xf32, #tpu.memory_space<hbm>> -> memref<1x32xf32, #tpu.memory_space<hbm>>
    tpu.wait_dma2 semaphore(%arg7 : memref<!tpu.dma_semaphore, #tpu.memory_space<semaphore_mem>>) src(%dma_wait3A_301 : memref<1x32xf32, #tpu.memory_space<hbm>>) dst(%dma_wait3A_299 : memref<1x32xf32, #tpu.memory_space<vmem>>)
    %dma_wait3A_302 = arith.constant 11 : i32
    %dma_wait3A_303 = arith.constant 0 : i32
    %dma_wait3A_304 = tpu.memref_slice %arg6[%dma_wait3A_302, %dma_wait3A_303] : memref<16x32xf32, #tpu.memory_space<vmem>> -> memref<1x32xf32, #tpu.memory_space<vmem>>
    %dma_wait3A_305 = arith.constant 0 : i32
    %dma_wait3A_306 = tpu.memref_slice %arg2[%squeeze3A_134, %dma_wait3A_305] : memref<100000x32xf32, #tpu.memory_space<hbm>> -> memref<1x32xf32, #tpu.memory_space<hbm>>
    %dma_wait3A_307 = arith.constant 11 : i32
    %dma_wait3A_308 = arith.constant 0 : i32
    %dma_wait3A_309 = tpu.memref_slice %arg6[%dma_wait3A_307, %dma_wait3A_308] : memref<16x32xf32, #tpu.memory_space<vmem>> -> memref<1x32xf32, #tpu.memory_space<vmem>>
    %dma_wait3A_310 = arith.constant 0 : i32
    %dma_wait3A_311 = tpu.memref_slice %arg2[%squeeze3A_134, %dma_wait3A_310] : memref<100000x32xf32, #tpu.memory_space<hbm>> -> memref<1x32xf32, #tpu.memory_space<hbm>>
    tpu.wait_dma2 semaphore(%arg7 : memref<!tpu.dma_semaphore, #tpu.memory_space<semaphore_mem>>) src(%dma_wait3A_311 : memref<1x32xf32, #tpu.memory_space<hbm>>) dst(%dma_wait3A_309 : memref<1x32xf32, #tpu.memory_space<vmem>>)
    %dma_wait3A_312 = arith.constant 12 : i32
    %dma_wait3A_313 = arith.constant 0 : i32
    %dma_wait3A_314 = tpu.memref_slice %arg6[%dma_wait3A_312, %dma_wait3A_313] : memref<16x32xf32, #tpu.memory_space<vmem>> -> memref<1x32xf32, #tpu.memory_space<vmem>>
    %dma_wait3A_315 = arith.constant 0 : i32
    %dma_wait3A_316 = tpu.memref_slice %arg2[%squeeze3A_146, %dma_wait3A_315] : memref<100000x32xf32, #tpu.memory_space<hbm>> -> memref<1x32xf32, #tpu.memory_space<hbm>>
    %dma_wait3A_317 = arith.constant 12 : i32
    %dma_wait3A_318 = arith.constant 0 : i32
    %dma_wait3A_319 = tpu.memref_slice %arg6[%dma_wait3A_317, %dma_wait3A_318] : memref<16x32xf32, #tpu.memory_space<vmem>> -> memref<1x32xf32, #tpu.memory_space<vmem>>
    %dma_wait3A_320 = arith.constant 0 : i32
    %dma_wait3A_321 = tpu.memref_slice %arg2[%squeeze3A_146, %dma_wait3A_320] : memref<100000x32xf32, #tpu.memory_space<hbm>> -> memref<1x32xf32, #tpu.memory_space<hbm>>
    tpu.wait_dma2 semaphore(%arg7 : memref<!tpu.dma_semaphore, #tpu.memory_space<semaphore_mem>>) src(%dma_wait3A_321 : memref<1x32xf32, #tpu.memory_space<hbm>>) dst(%dma_wait3A_319 : memref<1x32xf32, #tpu.memory_space<vmem>>)
    %dma_wait3A_322 = arith.constant 13 : i32
    %dma_wait3A_323 = arith.constant 0 : i32
    %dma_wait3A_324 = tpu.memref_slice %arg6[%dma_wait3A_322, %dma_wait3A_323] : memref<16x32xf32, #tpu.memory_space<vmem>> -> memref<1x32xf32, #tpu.memory_space<vmem>>
    %dma_wait3A_325 = arith.constant 0 : i32
    %dma_wait3A_326 = tpu.memref_slice %arg2[%squeeze3A_158, %dma_wait3A_325] : memref<100000x32xf32, #tpu.memory_space<hbm>> -> memref<1x32xf32, #tpu.memory_space<hbm>>
    %dma_wait3A_327 = arith.constant 13 : i32
    %dma_wait3A_328 = arith.constant 0 : i32
    %dma_wait3A_329 = tpu.memref_slice %arg6[%dma_wait3A_327, %dma_wait3A_328] : memref<16x32xf32, #tpu.memory_space<vmem>> -> memref<1x32xf32, #tpu.memory_space<vmem>>
    %dma_wait3A_330 = arith.constant 0 : i32
    %dma_wait3A_331 = tpu.memref_slice %arg2[%squeeze3A_158, %dma_wait3A_330] : memref<100000x32xf32, #tpu.memory_space<hbm>> -> memref<1x32xf32, #tpu.memory_space<hbm>>
    tpu.wait_dma2 semaphore(%arg7 : memref<!tpu.dma_semaphore, #tpu.memory_space<semaphore_mem>>) src(%dma_wait3A_331 : memref<1x32xf32, #tpu.memory_space<hbm>>) dst(%dma_wait3A_329 : memref<1x32xf32, #tpu.memory_space<vmem>>)
    %dma_wait3A_332 = arith.constant 14 : i32
    %dma_wait3A_333 = arith.constant 0 : i32
    %dma_wait3A_334 = tpu.memref_slice %arg6[%dma_wait3A_332, %dma_wait3A_333] : memref<16x32xf32, #tpu.memory_space<vmem>> -> memref<1x32xf32, #tpu.memory_space<vmem>>
    %dma_wait3A_335 = arith.constant 0 : i32
    %dma_wait3A_336 = tpu.memref_slice %arg2[%squeeze3A_170, %dma_wait3A_335] : memref<100000x32xf32, #tpu.memory_space<hbm>> -> memref<1x32xf32, #tpu.memory_space<hbm>>
    %dma_wait3A_337 = arith.constant 14 : i32
    %dma_wait3A_338 = arith.constant 0 : i32
    %dma_wait3A_339 = tpu.memref_slice %arg6[%dma_wait3A_337, %dma_wait3A_338] : memref<16x32xf32, #tpu.memory_space<vmem>> -> memref<1x32xf32, #tpu.memory_space<vmem>>
    %dma_wait3A_340 = arith.constant 0 : i32
    %dma_wait3A_341 = tpu.memref_slice %arg2[%squeeze3A_170, %dma_wait3A_340] : memref<100000x32xf32, #tpu.memory_space<hbm>> -> memref<1x32xf32, #tpu.memory_space<hbm>>
    tpu.wait_dma2 semaphore(%arg7 : memref<!tpu.dma_semaphore, #tpu.memory_space<semaphore_mem>>) src(%dma_wait3A_341 : memref<1x32xf32, #tpu.memory_space<hbm>>) dst(%dma_wait3A_339 : memref<1x32xf32, #tpu.memory_space<vmem>>)
    %dma_wait3A_342 = arith.constant 15 : i32
    %dma_wait3A_343 = arith.constant 0 : i32
    %dma_wait3A_344 = tpu.memref_slice %arg6[%dma_wait3A_342, %dma_wait3A_343] : memref<16x32xf32, #tpu.memory_space<vmem>> -> memref<1x32xf32, #tpu.memory_space<vmem>>
    %dma_wait3A_345 = arith.constant 0 : i32
    %dma_wait3A_346 = tpu.memref_slice %arg2[%squeeze3A_182, %dma_wait3A_345] : memref<100000x32xf32, #tpu.memory_space<hbm>> -> memref<1x32xf32, #tpu.memory_space<hbm>>
    %dma_wait3A_347 = arith.constant 15 : i32
    %dma_wait3A_348 = arith.constant 0 : i32
    %dma_wait3A_349 = tpu.memref_slice %arg6[%dma_wait3A_347, %dma_wait3A_348] : memref<16x32xf32, #tpu.memory_space<vmem>> -> memref<1x32xf32, #tpu.memory_space<vmem>>
    %dma_wait3A_350 = arith.constant 0 : i32
    %dma_wait3A_351 = tpu.memref_slice %arg2[%squeeze3A_182, %dma_wait3A_350] : memref<100000x32xf32, #tpu.memory_space<hbm>> -> memref<1x32xf32, #tpu.memory_space<hbm>>
    tpu.wait_dma2 semaphore(%arg7 : memref<!tpu.dma_semaphore, #tpu.memory_space<semaphore_mem>>) src(%dma_wait3A_351 : memref<1x32xf32, #tpu.memory_space<hbm>>) dst(%dma_wait3A_349 : memref<1x32xf32, #tpu.memory_space<vmem>>)
    "tpu.region"() ({
      %run_scoped3A = tpu.sem_alloc : memref<!tpu.dma_semaphore, #tpu.memory_space<semaphore_mem>>
      %dma_start3A_352 = arith.constant 0 : i32
      %dma_start3A_353 = tpu.memref_slice %arg4[%mul3A_2, %dma_start3A_352] : memref<512x32xf32, #tpu.memory_space<hbm>> -> memref<16x32xf32, #tpu.memory_space<hbm>>
      %dma_start3A_354 = arith.constant 0 : i32
      %dma_start3A_355 = tpu.memref_slice %arg4[%mul3A_2, %dma_start3A_354] : memref<512x32xf32, #tpu.memory_space<hbm>> -> memref<16x32xf32, #tpu.memory_space<hbm>>
      tpu.enqueue_dma source(%arg6 : memref<16x32xf32, #tpu.memory_space<vmem>>) target(%dma_start3A_355 : memref<16x32xf32, #tpu.memory_space<hbm>>) target_semaphore(%run_scoped3A : memref<!tpu.dma_semaphore, #tpu.memory_space<semaphore_mem>>)
      %dma_wait3A_356 = arith.constant 0 : i32
      %dma_wait3A_357 = tpu.memref_slice %arg4[%mul3A_2, %dma_wait3A_356] : memref<512x32xf32, #tpu.memory_space<hbm>> -> memref<16x32xf32, #tpu.memory_space<hbm>>
      %dma_wait3A_358 = arith.constant 0 : i32
      %dma_wait3A_359 = tpu.memref_slice %arg4[%mul3A_2, %dma_wait3A_358] : memref<512x32xf32, #tpu.memory_space<hbm>> -> memref<16x32xf32, #tpu.memory_space<hbm>>
      tpu.wait_dma2 semaphore(%run_scoped3A : memref<!tpu.dma_semaphore, #tpu.memory_space<semaphore_mem>>) src(%arg6 : memref<16x32xf32, #tpu.memory_space<vmem>>) dst(%dma_wait3A_359 : memref<16x32xf32, #tpu.memory_space<hbm>>)
      tpu.yield
    }) : () -> ()
    return
  }
}

module attributes {stable_mosaic.version = 14 : i64} {
  func.func @_matmul_body(%arg0: i32, %arg1: memref<512x32xf32, #tpu.memory_space<vmem>>, %arg2: memref<32x4096xf32, #tpu.memory_space<vmem>>, %arg3: memref<1x4096xf32, #tpu.memory_space<vmem>>, %arg4: memref<512x100000xf32, #tpu.memory_space<any>>, %arg5: memref<512x4096xf32, #tpu.memory_space<vmem>>, %arg6: memref<512x4096xf32, #tpu.memory_space<vmem>>, %arg7: memref<512x4096xf32, #tpu.memory_space<vmem>>, %arg8: memref<512x4096xf32, #tpu.memory_space<vmem>>, %arg9: memref<512x4096xf32, #tpu.memory_space<vmem>>, %arg10: memref<512x4096xf32, #tpu.memory_space<vmem>>, %arg11: memref<512x1696xf32, #tpu.memory_space<vmem>>, %arg12: memref<6x!tpu.dma_semaphore, #tpu.memory_space<semaphore_mem>>, %arg13: memref<!tpu.dma_semaphore, #tpu.memory_space<semaphore_mem>>) attributes {dimension_semantics = [#tpu.dimension_semantics<arbitrary>], iteration_bounds = array<i64: 25>, scalar_prefetch = 0 : i64, scratch_operands = 9 : i64, tpu.core_type = #tpu.core_type<tc>, window_params = [{pipeline_mode = #tpu.pipeline_mode<synchronous>, transform_indices = @transform_0, window_bounds = array<i64: 512, 32>}, {transform_indices = @transform_1, window_bounds = array<i64: 32, 4096>}, {transform_indices = @transform_2, window_bounds = array<i64: 1, 4096>}, {}]} {
    %ge3A = arith.constant 6 : i32
    %ge3A_0 = arith.cmpi sge, %arg0, %ge3A : i32
    %jit3A = arith.constant 6 : i32
    %eq3A = arith.constant 0 : i32
    %eq3A_1 = arith.cmpi eq, %jit3A, %eq3A : i32
    %jit3A_2 = arith.constant 1 : i32
    %select_n3A = arith.select %eq3A_1, %jit3A_2, %jit3A : i32
    %rem3A = arith.remsi %arg0, %select_n3A : i32
    %ne3A = arith.constant 0 : i32
    %ne3A_3 = arith.cmpi ne, %rem3A, %ne3A : i32
    %lt3A = arith.constant 0 : i32
    %lt3A_4 = arith.cmpi slt, %rem3A, %lt3A : i32
    %lt3A_5 = arith.constant 0 : i32
    %lt3A_6 = arith.cmpi slt, %select_n3A, %lt3A_5 : i32
    %ne3A_7 = arith.xori %lt3A_4, %lt3A_6 : i1
    %and3A = arith.andi %ne3A_7, %ne3A_3 : i1
    %add3A = arith.addi %rem3A, %select_n3A : i32
    %select_n3A_8 = arith.select %and3A, %add3A, %rem3A : i32
    %eq3A_9 = arith.constant 0 : i32
    %eq3A_10 = arith.cmpi eq, %select_n3A_8, %eq3A_9 : i32
    %and3A_11 = arith.andi %ge3A_0, %eq3A_10 : i1
    %convert_element_type3A = arith.extui %and3A_11 : i1 to i32
    %cond3A = arith.constant 0 : i32
    %cond3A_12 = arith.cmpi ne, %convert_element_type3A, %cond3A : i32
    scf.if %cond3A_12 {
      %sub3A = arith.constant 6 : i32
      %sub3A_282 = arith.subi %arg0, %sub3A : i32
      %mul3A = arith.constant 4096 : i32
      %mul3A_283 = arith.muli %sub3A_282, %mul3A : i32
      %dma_wait3A = arith.constant 0 : i32
      %dma_wait3A_284 = tpu.memref_slice %arg12[%dma_wait3A] : memref<6x!tpu.dma_semaphore, #tpu.memory_space<semaphore_mem>> -> memref<1x!tpu.dma_semaphore, #tpu.memory_space<semaphore_mem>>
      %dma_wait3A_285 = tpu.memref_squeeze %dma_wait3A_284 : memref<1x!tpu.dma_semaphore, #tpu.memory_space<semaphore_mem>> -> memref<!tpu.dma_semaphore, #tpu.memory_space<semaphore_mem>>
      %dma_wait3A_286 = arith.constant 0 : i32
      %dma_wait3A_287 = tpu.memref_slice %arg4[%dma_wait3A_286, %mul3A_283] : memref<512x100000xf32, #tpu.memory_space<any>> -> memref<512x4096xf32, #tpu.memory_space<any>>
      tpu.wait_dma2 semaphore(%dma_wait3A_285 : memref<!tpu.dma_semaphore, #tpu.memory_space<semaphore_mem>>) src(%arg5 : memref<512x4096xf32, #tpu.memory_space<vmem>>) dst(%dma_wait3A_287 : memref<512x4096xf32, #tpu.memory_space<any>>)
    } else {
    }
    %ge3A_13 = arith.constant 6 : i32
    %ge3A_14 = arith.cmpi sge, %arg0, %ge3A_13 : i32
    %jit3A_15 = arith.constant 6 : i32
    %eq3A_16 = arith.constant 0 : i32
    %eq3A_17 = arith.cmpi eq, %jit3A_15, %eq3A_16 : i32
    %jit3A_18 = arith.constant 1 : i32
    %select_n3A_19 = arith.select %eq3A_17, %jit3A_18, %jit3A_15 : i32
    %rem3A_20 = arith.remsi %arg0, %select_n3A_19 : i32
    %ne3A_21 = arith.constant 0 : i32
    %ne3A_22 = arith.cmpi ne, %rem3A_20, %ne3A_21 : i32
    %lt3A_23 = arith.constant 0 : i32
    %lt3A_24 = arith.cmpi slt, %rem3A_20, %lt3A_23 : i32
    %lt3A_25 = arith.constant 0 : i32
    %lt3A_26 = arith.cmpi slt, %select_n3A_19, %lt3A_25 : i32
    %ne3A_27 = arith.xori %lt3A_24, %lt3A_26 : i1
    %and3A_28 = arith.andi %ne3A_27, %ne3A_22 : i1
    %add3A_29 = arith.addi %rem3A_20, %select_n3A_19 : i32
    %select_n3A_30 = arith.select %and3A_28, %add3A_29, %rem3A_20 : i32
    %eq3A_31 = arith.constant 1 : i32
    %eq3A_32 = arith.cmpi eq, %select_n3A_30, %eq3A_31 : i32
    %and3A_33 = arith.andi %ge3A_14, %eq3A_32 : i1
    %convert_element_type3A_34 = arith.extui %and3A_33 : i1 to i32
    %cond3A_35 = arith.constant 0 : i32
    %cond3A_36 = arith.cmpi ne, %convert_element_type3A_34, %cond3A_35 : i32
    scf.if %cond3A_36 {
      %sub3A = arith.constant 6 : i32
      %sub3A_282 = arith.subi %arg0, %sub3A : i32
      %mul3A = arith.constant 4096 : i32
      %mul3A_283 = arith.muli %sub3A_282, %mul3A : i32
      %dma_wait3A = arith.constant 1 : i32
      %dma_wait3A_284 = tpu.memref_slice %arg12[%dma_wait3A] : memref<6x!tpu.dma_semaphore, #tpu.memory_space<semaphore_mem>> -> memref<1x!tpu.dma_semaphore, #tpu.memory_space<semaphore_mem>>
      %dma_wait3A_285 = tpu.memref_squeeze %dma_wait3A_284 : memref<1x!tpu.dma_semaphore, #tpu.memory_space<semaphore_mem>> -> memref<!tpu.dma_semaphore, #tpu.memory_space<semaphore_mem>>
      %dma_wait3A_286 = arith.constant 0 : i32
      %dma_wait3A_287 = tpu.memref_slice %arg4[%dma_wait3A_286, %mul3A_283] : memref<512x100000xf32, #tpu.memory_space<any>> -> memref<512x4096xf32, #tpu.memory_space<any>>
      tpu.wait_dma2 semaphore(%dma_wait3A_285 : memref<!tpu.dma_semaphore, #tpu.memory_space<semaphore_mem>>) src(%arg6 : memref<512x4096xf32, #tpu.memory_space<vmem>>) dst(%dma_wait3A_287 : memref<512x4096xf32, #tpu.memory_space<any>>)
    } else {
    }
    %ge3A_37 = arith.constant 6 : i32
    %ge3A_38 = arith.cmpi sge, %arg0, %ge3A_37 : i32
    %jit3A_39 = arith.constant 6 : i32
    %eq3A_40 = arith.constant 0 : i32
    %eq3A_41 = arith.cmpi eq, %jit3A_39, %eq3A_40 : i32
    %jit3A_42 = arith.constant 1 : i32
    %select_n3A_43 = arith.select %eq3A_41, %jit3A_42, %jit3A_39 : i32
    %rem3A_44 = arith.remsi %arg0, %select_n3A_43 : i32
    %ne3A_45 = arith.constant 0 : i32
    %ne3A_46 = arith.cmpi ne, %rem3A_44, %ne3A_45 : i32
    %lt3A_47 = arith.constant 0 : i32
    %lt3A_48 = arith.cmpi slt, %rem3A_44, %lt3A_47 : i32
    %lt3A_49 = arith.constant 0 : i32
    %lt3A_50 = arith.cmpi slt, %select_n3A_43, %lt3A_49 : i32
    %ne3A_51 = arith.xori %lt3A_48, %lt3A_50 : i1
    %and3A_52 = arith.andi %ne3A_51, %ne3A_46 : i1
    %add3A_53 = arith.addi %rem3A_44, %select_n3A_43 : i32
    %select_n3A_54 = arith.select %and3A_52, %add3A_53, %rem3A_44 : i32
    %eq3A_55 = arith.constant 2 : i32
    %eq3A_56 = arith.cmpi eq, %select_n3A_54, %eq3A_55 : i32
    %and3A_57 = arith.andi %ge3A_38, %eq3A_56 : i1
    %convert_element_type3A_58 = arith.extui %and3A_57 : i1 to i32
    %cond3A_59 = arith.constant 0 : i32
    %cond3A_60 = arith.cmpi ne, %convert_element_type3A_58, %cond3A_59 : i32
    scf.if %cond3A_60 {
      %sub3A = arith.constant 6 : i32
      %sub3A_282 = arith.subi %arg0, %sub3A : i32
      %mul3A = arith.constant 4096 : i32
      %mul3A_283 = arith.muli %sub3A_282, %mul3A : i32
      %dma_wait3A = arith.constant 2 : i32
      %dma_wait3A_284 = tpu.memref_slice %arg12[%dma_wait3A] : memref<6x!tpu.dma_semaphore, #tpu.memory_space<semaphore_mem>> -> memref<1x!tpu.dma_semaphore, #tpu.memory_space<semaphore_mem>>
      %dma_wait3A_285 = tpu.memref_squeeze %dma_wait3A_284 : memref<1x!tpu.dma_semaphore, #tpu.memory_space<semaphore_mem>> -> memref<!tpu.dma_semaphore, #tpu.memory_space<semaphore_mem>>
      %dma_wait3A_286 = arith.constant 0 : i32
      %dma_wait3A_287 = tpu.memref_slice %arg4[%dma_wait3A_286, %mul3A_283] : memref<512x100000xf32, #tpu.memory_space<any>> -> memref<512x4096xf32, #tpu.memory_space<any>>
      tpu.wait_dma2 semaphore(%dma_wait3A_285 : memref<!tpu.dma_semaphore, #tpu.memory_space<semaphore_mem>>) src(%arg7 : memref<512x4096xf32, #tpu.memory_space<vmem>>) dst(%dma_wait3A_287 : memref<512x4096xf32, #tpu.memory_space<any>>)
    } else {
    }
    %ge3A_61 = arith.constant 6 : i32
    %ge3A_62 = arith.cmpi sge, %arg0, %ge3A_61 : i32
    %jit3A_63 = arith.constant 6 : i32
    %eq3A_64 = arith.constant 0 : i32
    %eq3A_65 = arith.cmpi eq, %jit3A_63, %eq3A_64 : i32
    %jit3A_66 = arith.constant 1 : i32
    %select_n3A_67 = arith.select %eq3A_65, %jit3A_66, %jit3A_63 : i32
    %rem3A_68 = arith.remsi %arg0, %select_n3A_67 : i32
    %ne3A_69 = arith.constant 0 : i32
    %ne3A_70 = arith.cmpi ne, %rem3A_68, %ne3A_69 : i32
    %lt3A_71 = arith.constant 0 : i32
    %lt3A_72 = arith.cmpi slt, %rem3A_68, %lt3A_71 : i32
    %lt3A_73 = arith.constant 0 : i32
    %lt3A_74 = arith.cmpi slt, %select_n3A_67, %lt3A_73 : i32
    %ne3A_75 = arith.xori %lt3A_72, %lt3A_74 : i1
    %and3A_76 = arith.andi %ne3A_75, %ne3A_70 : i1
    %add3A_77 = arith.addi %rem3A_68, %select_n3A_67 : i32
    %select_n3A_78 = arith.select %and3A_76, %add3A_77, %rem3A_68 : i32
    %eq3A_79 = arith.constant 3 : i32
    %eq3A_80 = arith.cmpi eq, %select_n3A_78, %eq3A_79 : i32
    %and3A_81 = arith.andi %ge3A_62, %eq3A_80 : i1
    %convert_element_type3A_82 = arith.extui %and3A_81 : i1 to i32
    %cond3A_83 = arith.constant 0 : i32
    %cond3A_84 = arith.cmpi ne, %convert_element_type3A_82, %cond3A_83 : i32
    scf.if %cond3A_84 {
      %sub3A = arith.constant 6 : i32
      %sub3A_282 = arith.subi %arg0, %sub3A : i32
      %mul3A = arith.constant 4096 : i32
      %mul3A_283 = arith.muli %sub3A_282, %mul3A : i32
      %dma_wait3A = arith.constant 3 : i32
      %dma_wait3A_284 = tpu.memref_slice %arg12[%dma_wait3A] : memref<6x!tpu.dma_semaphore, #tpu.memory_space<semaphore_mem>> -> memref<1x!tpu.dma_semaphore, #tpu.memory_space<semaphore_mem>>
      %dma_wait3A_285 = tpu.memref_squeeze %dma_wait3A_284 : memref<1x!tpu.dma_semaphore, #tpu.memory_space<semaphore_mem>> -> memref<!tpu.dma_semaphore, #tpu.memory_space<semaphore_mem>>
      %dma_wait3A_286 = arith.constant 0 : i32
      %dma_wait3A_287 = tpu.memref_slice %arg4[%dma_wait3A_286, %mul3A_283] : memref<512x100000xf32, #tpu.memory_space<any>> -> memref<512x4096xf32, #tpu.memory_space<any>>
      tpu.wait_dma2 semaphore(%dma_wait3A_285 : memref<!tpu.dma_semaphore, #tpu.memory_space<semaphore_mem>>) src(%arg8 : memref<512x4096xf32, #tpu.memory_space<vmem>>) dst(%dma_wait3A_287 : memref<512x4096xf32, #tpu.memory_space<any>>)
    } else {
    }
    %ge3A_85 = arith.constant 6 : i32
    %ge3A_86 = arith.cmpi sge, %arg0, %ge3A_85 : i32
    %jit3A_87 = arith.constant 6 : i32
    %eq3A_88 = arith.constant 0 : i32
    %eq3A_89 = arith.cmpi eq, %jit3A_87, %eq3A_88 : i32
    %jit3A_90 = arith.constant 1 : i32
    %select_n3A_91 = arith.select %eq3A_89, %jit3A_90, %jit3A_87 : i32
    %rem3A_92 = arith.remsi %arg0, %select_n3A_91 : i32
    %ne3A_93 = arith.constant 0 : i32
    %ne3A_94 = arith.cmpi ne, %rem3A_92, %ne3A_93 : i32
    %lt3A_95 = arith.constant 0 : i32
    %lt3A_96 = arith.cmpi slt, %rem3A_92, %lt3A_95 : i32
    %lt3A_97 = arith.constant 0 : i32
    %lt3A_98 = arith.cmpi slt, %select_n3A_91, %lt3A_97 : i32
    %ne3A_99 = arith.xori %lt3A_96, %lt3A_98 : i1
    %and3A_100 = arith.andi %ne3A_99, %ne3A_94 : i1
    %add3A_101 = arith.addi %rem3A_92, %select_n3A_91 : i32
    %select_n3A_102 = arith.select %and3A_100, %add3A_101, %rem3A_92 : i32
    %eq3A_103 = arith.constant 4 : i32
    %eq3A_104 = arith.cmpi eq, %select_n3A_102, %eq3A_103 : i32
    %and3A_105 = arith.andi %ge3A_86, %eq3A_104 : i1
    %convert_element_type3A_106 = arith.extui %and3A_105 : i1 to i32
    %cond3A_107 = arith.constant 0 : i32
    %cond3A_108 = arith.cmpi ne, %convert_element_type3A_106, %cond3A_107 : i32
    scf.if %cond3A_108 {
      %sub3A = arith.constant 6 : i32
      %sub3A_282 = arith.subi %arg0, %sub3A : i32
      %mul3A = arith.constant 4096 : i32
      %mul3A_283 = arith.muli %sub3A_282, %mul3A : i32
      %dma_wait3A = arith.constant 4 : i32
      %dma_wait3A_284 = tpu.memref_slice %arg12[%dma_wait3A] : memref<6x!tpu.dma_semaphore, #tpu.memory_space<semaphore_mem>> -> memref<1x!tpu.dma_semaphore, #tpu.memory_space<semaphore_mem>>
      %dma_wait3A_285 = tpu.memref_squeeze %dma_wait3A_284 : memref<1x!tpu.dma_semaphore, #tpu.memory_space<semaphore_mem>> -> memref<!tpu.dma_semaphore, #tpu.memory_space<semaphore_mem>>
      %dma_wait3A_286 = arith.constant 0 : i32
      %dma_wait3A_287 = tpu.memref_slice %arg4[%dma_wait3A_286, %mul3A_283] : memref<512x100000xf32, #tpu.memory_space<any>> -> memref<512x4096xf32, #tpu.memory_space<any>>
      tpu.wait_dma2 semaphore(%dma_wait3A_285 : memref<!tpu.dma_semaphore, #tpu.memory_space<semaphore_mem>>) src(%arg9 : memref<512x4096xf32, #tpu.memory_space<vmem>>) dst(%dma_wait3A_287 : memref<512x4096xf32, #tpu.memory_space<any>>)
    } else {
    }
    %ge3A_109 = arith.constant 6 : i32
    %ge3A_110 = arith.cmpi sge, %arg0, %ge3A_109 : i32
    %jit3A_111 = arith.constant 6 : i32
    %eq3A_112 = arith.constant 0 : i32
    %eq3A_113 = arith.cmpi eq, %jit3A_111, %eq3A_112 : i32
    %jit3A_114 = arith.constant 1 : i32
    %select_n3A_115 = arith.select %eq3A_113, %jit3A_114, %jit3A_111 : i32
    %rem3A_116 = arith.remsi %arg0, %select_n3A_115 : i32
    %ne3A_117 = arith.constant 0 : i32
    %ne3A_118 = arith.cmpi ne, %rem3A_116, %ne3A_117 : i32
    %lt3A_119 = arith.constant 0 : i32
    %lt3A_120 = arith.cmpi slt, %rem3A_116, %lt3A_119 : i32
    %lt3A_121 = arith.constant 0 : i32
    %lt3A_122 = arith.cmpi slt, %select_n3A_115, %lt3A_121 : i32
    %ne3A_123 = arith.xori %lt3A_120, %lt3A_122 : i1
    %and3A_124 = arith.andi %ne3A_123, %ne3A_118 : i1
    %add3A_125 = arith.addi %rem3A_116, %select_n3A_115 : i32
    %select_n3A_126 = arith.select %and3A_124, %add3A_125, %rem3A_116 : i32
    %eq3A_127 = arith.constant 5 : i32
    %eq3A_128 = arith.cmpi eq, %select_n3A_126, %eq3A_127 : i32
    %and3A_129 = arith.andi %ge3A_110, %eq3A_128 : i1
    %convert_element_type3A_130 = arith.extui %and3A_129 : i1 to i32
    %cond3A_131 = arith.constant 0 : i32
    %cond3A_132 = arith.cmpi ne, %convert_element_type3A_130, %cond3A_131 : i32
    scf.if %cond3A_132 {
      %sub3A = arith.constant 6 : i32
      %sub3A_282 = arith.subi %arg0, %sub3A : i32
      %mul3A = arith.constant 4096 : i32
      %mul3A_283 = arith.muli %sub3A_282, %mul3A : i32
      %dma_wait3A = arith.constant 5 : i32
      %dma_wait3A_284 = tpu.memref_slice %arg12[%dma_wait3A] : memref<6x!tpu.dma_semaphore, #tpu.memory_space<semaphore_mem>> -> memref<1x!tpu.dma_semaphore, #tpu.memory_space<semaphore_mem>>
      %dma_wait3A_285 = tpu.memref_squeeze %dma_wait3A_284 : memref<1x!tpu.dma_semaphore, #tpu.memory_space<semaphore_mem>> -> memref<!tpu.dma_semaphore, #tpu.memory_space<semaphore_mem>>
      %dma_wait3A_286 = arith.constant 0 : i32
      %dma_wait3A_287 = tpu.memref_slice %arg4[%dma_wait3A_286, %mul3A_283] : memref<512x100000xf32, #tpu.memory_space<any>> -> memref<512x4096xf32, #tpu.memory_space<any>>
      tpu.wait_dma2 semaphore(%dma_wait3A_285 : memref<!tpu.dma_semaphore, #tpu.memory_space<semaphore_mem>>) src(%arg10 : memref<512x4096xf32, #tpu.memory_space<vmem>>) dst(%dma_wait3A_287 : memref<512x4096xf32, #tpu.memory_space<any>>)
    } else {
    }
    %lt3A_133 = arith.constant 24 : i32
    %lt3A_134 = arith.cmpi slt, %arg0, %lt3A_133 : i32
    %jit3A_135 = arith.constant 6 : i32
    %eq3A_136 = arith.constant 0 : i32
    %eq3A_137 = arith.cmpi eq, %jit3A_135, %eq3A_136 : i32
    %jit3A_138 = arith.constant 1 : i32
    %select_n3A_139 = arith.select %eq3A_137, %jit3A_138, %jit3A_135 : i32
    %rem3A_140 = arith.remsi %arg0, %select_n3A_139 : i32
    %ne3A_141 = arith.constant 0 : i32
    %ne3A_142 = arith.cmpi ne, %rem3A_140, %ne3A_141 : i32
    %lt3A_143 = arith.constant 0 : i32
    %lt3A_144 = arith.cmpi slt, %rem3A_140, %lt3A_143 : i32
    %lt3A_145 = arith.constant 0 : i32
    %lt3A_146 = arith.cmpi slt, %select_n3A_139, %lt3A_145 : i32
    %ne3A_147 = arith.xori %lt3A_144, %lt3A_146 : i1
    %and3A_148 = arith.andi %ne3A_147, %ne3A_142 : i1
    %add3A_149 = arith.addi %rem3A_140, %select_n3A_139 : i32
    %select_n3A_150 = arith.select %and3A_148, %add3A_149, %rem3A_140 : i32
    %eq3A_151 = arith.constant 0 : i32
    %eq3A_152 = arith.cmpi eq, %select_n3A_150, %eq3A_151 : i32
    %and3A_153 = arith.andi %lt3A_134, %eq3A_152 : i1
    %convert_element_type3A_154 = arith.extui %and3A_153 : i1 to i32
    %cond3A_155 = arith.constant 0 : i32
    %cond3A_156 = arith.cmpi ne, %convert_element_type3A_154, %cond3A_155 : i32
    scf.if %cond3A_156 {
      %get3A = arith.constant 0 : index
      %get3A_282 = arith.constant 0 : index
      %get3A_283 = vector.load %arg1[%get3A, %get3A_282] : memref<512x32xf32, #tpu.memory_space<vmem>>, vector<512x32xf32>
      %get3A_284 = arith.constant 0 : index
      %get3A_285 = arith.constant 0 : index
      %get3A_286 = vector.load %arg2[%get3A_284, %get3A_285] : memref<32x4096xf32, #tpu.memory_space<vmem>>, vector<32x4096xf32>
      %dot_general3A = arith.constant dense<0.000000e+00> : vector<512x4096xf32>
      %dot_general3A_287 = tpu.matmul %get3A_283, %get3A_286, %dot_general3A {dimension_numbers = #tpu.dot_dimension_numbers<[1], [0], [0], [1], [0, 0, 1, 1], [], []>, transpose_lhs_hint = false} : vector<512x32xf32>, vector<32x4096xf32>, vector<512x4096xf32> -> vector<512x4096xf32>
      %get3A_288 = arith.constant 0 : index
      %get3A_289 = arith.constant 0 : index
      %get3A_290 = vector.load %arg3[%get3A_288, %get3A_289] : memref<1x4096xf32, #tpu.memory_space<vmem>>, vector<1x4096xf32>
      %add3A_291 = vector.broadcast %get3A_290 : vector<1x4096xf32> to vector<512x4096xf32>
      %add3A_292 = arith.addf %dot_general3A_287, %add3A_291 : vector<512x4096xf32>
      %swap3A = arith.constant 0 : index
      %swap3A_293 = arith.constant 0 : index
      %swap3A_294 = vector.load %arg5[%swap3A, %swap3A_293] : memref<512x4096xf32, #tpu.memory_space<vmem>>, vector<512x4096xf32>
      tpu.vector_store %arg5[%swap3A, %swap3A_293], %add3A_292 {strides = array<i32>} : memref<512x4096xf32, #tpu.memory_space<vmem>>, vector<512x4096xf32>,
      %mul3A = arith.constant 4096 : i32
      %mul3A_295 = arith.muli %arg0, %mul3A : i32
      %dma_start3A = arith.constant 0 : i32
      %dma_start3A_296 = tpu.memref_slice %arg12[%dma_start3A] : memref<6x!tpu.dma_semaphore, #tpu.memory_space<semaphore_mem>> -> memref<1x!tpu.dma_semaphore, #tpu.memory_space<semaphore_mem>>
      %dma_start3A_297 = tpu.memref_squeeze %dma_start3A_296 : memref<1x!tpu.dma_semaphore, #tpu.memory_space<semaphore_mem>> -> memref<!tpu.dma_semaphore, #tpu.memory_space<semaphore_mem>>
      %dma_start3A_298 = arith.constant 0 : i32
      %dma_start3A_299 = tpu.memref_slice %arg4[%dma_start3A_298, %mul3A_295] : memref<512x100000xf32, #tpu.memory_space<any>> -> memref<512x4096xf32, #tpu.memory_space<any>>
      tpu.enqueue_dma source(%arg5 : memref<512x4096xf32, #tpu.memory_space<vmem>>) target(%dma_start3A_299 : memref<512x4096xf32, #tpu.memory_space<any>>) target_semaphore(%dma_start3A_297 : memref<!tpu.dma_semaphore, #tpu.memory_space<semaphore_mem>>)
    } else {
    }
    %lt3A_157 = arith.constant 24 : i32
    %lt3A_158 = arith.cmpi slt, %arg0, %lt3A_157 : i32
    %jit3A_159 = arith.constant 6 : i32
    %eq3A_160 = arith.constant 0 : i32
    %eq3A_161 = arith.cmpi eq, %jit3A_159, %eq3A_160 : i32
    %jit3A_162 = arith.constant 1 : i32
    %select_n3A_163 = arith.select %eq3A_161, %jit3A_162, %jit3A_159 : i32
    %rem3A_164 = arith.remsi %arg0, %select_n3A_163 : i32
    %ne3A_165 = arith.constant 0 : i32
    %ne3A_166 = arith.cmpi ne, %rem3A_164, %ne3A_165 : i32
    %lt3A_167 = arith.constant 0 : i32
    %lt3A_168 = arith.cmpi slt, %rem3A_164, %lt3A_167 : i32
    %lt3A_169 = arith.constant 0 : i32
    %lt3A_170 = arith.cmpi slt, %select_n3A_163, %lt3A_169 : i32
    %ne3A_171 = arith.xori %lt3A_168, %lt3A_170 : i1
    %and3A_172 = arith.andi %ne3A_171, %ne3A_166 : i1
    %add3A_173 = arith.addi %rem3A_164, %select_n3A_163 : i32
    %select_n3A_174 = arith.select %and3A_172, %add3A_173, %rem3A_164 : i32
    %eq3A_175 = arith.constant 1 : i32
    %eq3A_176 = arith.cmpi eq, %select_n3A_174, %eq3A_175 : i32
    %and3A_177 = arith.andi %lt3A_158, %eq3A_176 : i1
    %convert_element_type3A_178 = arith.extui %and3A_177 : i1 to i32
    %cond3A_179 = arith.constant 0 : i32
    %cond3A_180 = arith.cmpi ne, %convert_element_type3A_178, %cond3A_179 : i32
    scf.if %cond3A_180 {
      %get3A = arith.constant 0 : index
      %get3A_282 = arith.constant 0 : index
      %get3A_283 = vector.load %arg1[%get3A, %get3A_282] : memref<512x32xf32, #tpu.memory_space<vmem>>, vector<512x32xf32>
      %get3A_284 = arith.constant 0 : index
      %get3A_285 = arith.constant 0 : index
      %get3A_286 = vector.load %arg2[%get3A_284, %get3A_285] : memref<32x4096xf32, #tpu.memory_space<vmem>>, vector<32x4096xf32>
      %dot_general3A = arith.constant dense<0.000000e+00> : vector<512x4096xf32>
      %dot_general3A_287 = tpu.matmul %get3A_283, %get3A_286, %dot_general3A {dimension_numbers = #tpu.dot_dimension_numbers<[1], [0], [0], [1], [0, 0, 1, 1], [], []>, transpose_lhs_hint = false} : vector<512x32xf32>, vector<32x4096xf32>, vector<512x4096xf32> -> vector<512x4096xf32>
      %get3A_288 = arith.constant 0 : index
      %get3A_289 = arith.constant 0 : index
      %get3A_290 = vector.load %arg3[%get3A_288, %get3A_289] : memref<1x4096xf32, #tpu.memory_space<vmem>>, vector<1x4096xf32>
      %add3A_291 = vector.broadcast %get3A_290 : vector<1x4096xf32> to vector<512x4096xf32>
      %add3A_292 = arith.addf %dot_general3A_287, %add3A_291 : vector<512x4096xf32>
      %swap3A = arith.constant 0 : index
      %swap3A_293 = arith.constant 0 : index
      %swap3A_294 = vector.load %arg6[%swap3A, %swap3A_293] : memref<512x4096xf32, #tpu.memory_space<vmem>>, vector<512x4096xf32>
      tpu.vector_store %arg6[%swap3A, %swap3A_293], %add3A_292 {strides = array<i32>} : memref<512x4096xf32, #tpu.memory_space<vmem>>, vector<512x4096xf32>,
      %mul3A = arith.constant 4096 : i32
      %mul3A_295 = arith.muli %arg0, %mul3A : i32
      %dma_start3A = arith.constant 1 : i32
      %dma_start3A_296 = tpu.memref_slice %arg12[%dma_start3A] : memref<6x!tpu.dma_semaphore, #tpu.memory_space<semaphore_mem>> -> memref<1x!tpu.dma_semaphore, #tpu.memory_space<semaphore_mem>>
      %dma_start3A_297 = tpu.memref_squeeze %dma_start3A_296 : memref<1x!tpu.dma_semaphore, #tpu.memory_space<semaphore_mem>> -> memref<!tpu.dma_semaphore, #tpu.memory_space<semaphore_mem>>
      %dma_start3A_298 = arith.constant 0 : i32
      %dma_start3A_299 = tpu.memref_slice %arg4[%dma_start3A_298, %mul3A_295] : memref<512x100000xf32, #tpu.memory_space<any>> -> memref<512x4096xf32, #tpu.memory_space<any>>
      tpu.enqueue_dma source(%arg6 : memref<512x4096xf32, #tpu.memory_space<vmem>>) target(%dma_start3A_299 : memref<512x4096xf32, #tpu.memory_space<any>>) target_semaphore(%dma_start3A_297 : memref<!tpu.dma_semaphore, #tpu.memory_space<semaphore_mem>>)
    } else {
    }
    %lt3A_181 = arith.constant 24 : i32
    %lt3A_182 = arith.cmpi slt, %arg0, %lt3A_181 : i32
    %jit3A_183 = arith.constant 6 : i32
    %eq3A_184 = arith.constant 0 : i32
    %eq3A_185 = arith.cmpi eq, %jit3A_183, %eq3A_184 : i32
    %jit3A_186 = arith.constant 1 : i32
    %select_n3A_187 = arith.select %eq3A_185, %jit3A_186, %jit3A_183 : i32
    %rem3A_188 = arith.remsi %arg0, %select_n3A_187 : i32
    %ne3A_189 = arith.constant 0 : i32
    %ne3A_190 = arith.cmpi ne, %rem3A_188, %ne3A_189 : i32
    %lt3A_191 = arith.constant 0 : i32
    %lt3A_192 = arith.cmpi slt, %rem3A_188, %lt3A_191 : i32
    %lt3A_193 = arith.constant 0 : i32
    %lt3A_194 = arith.cmpi slt, %select_n3A_187, %lt3A_193 : i32
    %ne3A_195 = arith.xori %lt3A_192, %lt3A_194 : i1
    %and3A_196 = arith.andi %ne3A_195, %ne3A_190 : i1
    %add3A_197 = arith.addi %rem3A_188, %select_n3A_187 : i32
    %select_n3A_198 = arith.select %and3A_196, %add3A_197, %rem3A_188 : i32
    %eq3A_199 = arith.constant 2 : i32
    %eq3A_200 = arith.cmpi eq, %select_n3A_198, %eq3A_199 : i32
    %and3A_201 = arith.andi %lt3A_182, %eq3A_200 : i1
    %convert_element_type3A_202 = arith.extui %and3A_201 : i1 to i32
    %cond3A_203 = arith.constant 0 : i32
    %cond3A_204 = arith.cmpi ne, %convert_element_type3A_202, %cond3A_203 : i32
    scf.if %cond3A_204 {
      %get3A = arith.constant 0 : index
      %get3A_282 = arith.constant 0 : index
      %get3A_283 = vector.load %arg1[%get3A, %get3A_282] : memref<512x32xf32, #tpu.memory_space<vmem>>, vector<512x32xf32>
      %get3A_284 = arith.constant 0 : index
      %get3A_285 = arith.constant 0 : index
      %get3A_286 = vector.load %arg2[%get3A_284, %get3A_285] : memref<32x4096xf32, #tpu.memory_space<vmem>>, vector<32x4096xf32>
      %dot_general3A = arith.constant dense<0.000000e+00> : vector<512x4096xf32>
      %dot_general3A_287 = tpu.matmul %get3A_283, %get3A_286, %dot_general3A {dimension_numbers = #tpu.dot_dimension_numbers<[1], [0], [0], [1], [0, 0, 1, 1], [], []>, transpose_lhs_hint = false} : vector<512x32xf32>, vector<32x4096xf32>, vector<512x4096xf32> -> vector<512x4096xf32>
      %get3A_288 = arith.constant 0 : index
      %get3A_289 = arith.constant 0 : index
      %get3A_290 = vector.load %arg3[%get3A_288, %get3A_289] : memref<1x4096xf32, #tpu.memory_space<vmem>>, vector<1x4096xf32>
      %add3A_291 = vector.broadcast %get3A_290 : vector<1x4096xf32> to vector<512x4096xf32>
      %add3A_292 = arith.addf %dot_general3A_287, %add3A_291 : vector<512x4096xf32>
      %swap3A = arith.constant 0 : index
      %swap3A_293 = arith.constant 0 : index
      %swap3A_294 = vector.load %arg7[%swap3A, %swap3A_293] : memref<512x4096xf32, #tpu.memory_space<vmem>>, vector<512x4096xf32>
      tpu.vector_store %arg7[%swap3A, %swap3A_293], %add3A_292 {strides = array<i32>} : memref<512x4096xf32, #tpu.memory_space<vmem>>, vector<512x4096xf32>,
      %mul3A = arith.constant 4096 : i32
      %mul3A_295 = arith.muli %arg0, %mul3A : i32
      %dma_start3A = arith.constant 2 : i32
      %dma_start3A_296 = tpu.memref_slice %arg12[%dma_start3A] : memref<6x!tpu.dma_semaphore, #tpu.memory_space<semaphore_mem>> -> memref<1x!tpu.dma_semaphore, #tpu.memory_space<semaphore_mem>>
      %dma_start3A_297 = tpu.memref_squeeze %dma_start3A_296 : memref<1x!tpu.dma_semaphore, #tpu.memory_space<semaphore_mem>> -> memref<!tpu.dma_semaphore, #tpu.memory_space<semaphore_mem>>
      %dma_start3A_298 = arith.constant 0 : i32
      %dma_start3A_299 = tpu.memref_slice %arg4[%dma_start3A_298, %mul3A_295] : memref<512x100000xf32, #tpu.memory_space<any>> -> memref<512x4096xf32, #tpu.memory_space<any>>
      tpu.enqueue_dma source(%arg7 : memref<512x4096xf32, #tpu.memory_space<vmem>>) target(%dma_start3A_299 : memref<512x4096xf32, #tpu.memory_space<any>>) target_semaphore(%dma_start3A_297 : memref<!tpu.dma_semaphore, #tpu.memory_space<semaphore_mem>>)
    } else {
    }
    %lt3A_205 = arith.constant 24 : i32
    %lt3A_206 = arith.cmpi slt, %arg0, %lt3A_205 : i32
    %jit3A_207 = arith.constant 6 : i32
    %eq3A_208 = arith.constant 0 : i32
    %eq3A_209 = arith.cmpi eq, %jit3A_207, %eq3A_208 : i32
    %jit3A_210 = arith.constant 1 : i32
    %select_n3A_211 = arith.select %eq3A_209, %jit3A_210, %jit3A_207 : i32
    %rem3A_212 = arith.remsi %arg0, %select_n3A_211 : i32
    %ne3A_213 = arith.constant 0 : i32
    %ne3A_214 = arith.cmpi ne, %rem3A_212, %ne3A_213 : i32
    %lt3A_215 = arith.constant 0 : i32
    %lt3A_216 = arith.cmpi slt, %rem3A_212, %lt3A_215 : i32
    %lt3A_217 = arith.constant 0 : i32
    %lt3A_218 = arith.cmpi slt, %select_n3A_211, %lt3A_217 : i32
    %ne3A_219 = arith.xori %lt3A_216, %lt3A_218 : i1
    %and3A_220 = arith.andi %ne3A_219, %ne3A_214 : i1
    %add3A_221 = arith.addi %rem3A_212, %select_n3A_211 : i32
    %select_n3A_222 = arith.select %and3A_220, %add3A_221, %rem3A_212 : i32
    %eq3A_223 = arith.constant 3 : i32
    %eq3A_224 = arith.cmpi eq, %select_n3A_222, %eq3A_223 : i32
    %and3A_225 = arith.andi %lt3A_206, %eq3A_224 : i1
    %convert_element_type3A_226 = arith.extui %and3A_225 : i1 to i32
    %cond3A_227 = arith.constant 0 : i32
    %cond3A_228 = arith.cmpi ne, %convert_element_type3A_226, %cond3A_227 : i32
    scf.if %cond3A_228 {
      %get3A = arith.constant 0 : index
      %get3A_282 = arith.constant 0 : index
      %get3A_283 = vector.load %arg1[%get3A, %get3A_282] : memref<512x32xf32, #tpu.memory_space<vmem>>, vector<512x32xf32>
      %get3A_284 = arith.constant 0 : index
      %get3A_285 = arith.constant 0 : index
      %get3A_286 = vector.load %arg2[%get3A_284, %get3A_285] : memref<32x4096xf32, #tpu.memory_space<vmem>>, vector<32x4096xf32>
      %dot_general3A = arith.constant dense<0.000000e+00> : vector<512x4096xf32>
      %dot_general3A_287 = tpu.matmul %get3A_283, %get3A_286, %dot_general3A {dimension_numbers = #tpu.dot_dimension_numbers<[1], [0], [0], [1], [0, 0, 1, 1], [], []>, transpose_lhs_hint = false} : vector<512x32xf32>, vector<32x4096xf32>, vector<512x4096xf32> -> vector<512x4096xf32>
      %get3A_288 = arith.constant 0 : index
      %get3A_289 = arith.constant 0 : index
      %get3A_290 = vector.load %arg3[%get3A_288, %get3A_289] : memref<1x4096xf32, #tpu.memory_space<vmem>>, vector<1x4096xf32>
      %add3A_291 = vector.broadcast %get3A_290 : vector<1x4096xf32> to vector<512x4096xf32>
      %add3A_292 = arith.addf %dot_general3A_287, %add3A_291 : vector<512x4096xf32>
      %swap3A = arith.constant 0 : index
      %swap3A_293 = arith.constant 0 : index
      %swap3A_294 = vector.load %arg8[%swap3A, %swap3A_293] : memref<512x4096xf32, #tpu.memory_space<vmem>>, vector<512x4096xf32>
      tpu.vector_store %arg8[%swap3A, %swap3A_293], %add3A_292 {strides = array<i32>} : memref<512x4096xf32, #tpu.memory_space<vmem>>, vector<512x4096xf32>,
      %mul3A = arith.constant 4096 : i32
      %mul3A_295 = arith.muli %arg0, %mul3A : i32
      %dma_start3A = arith.constant 3 : i32
      %dma_start3A_296 = tpu.memref_slice %arg12[%dma_start3A] : memref<6x!tpu.dma_semaphore, #tpu.memory_space<semaphore_mem>> -> memref<1x!tpu.dma_semaphore, #tpu.memory_space<semaphore_mem>>
      %dma_start3A_297 = tpu.memref_squeeze %dma_start3A_296 : memref<1x!tpu.dma_semaphore, #tpu.memory_space<semaphore_mem>> -> memref<!tpu.dma_semaphore, #tpu.memory_space<semaphore_mem>>
      %dma_start3A_298 = arith.constant 0 : i32
      %dma_start3A_299 = tpu.memref_slice %arg4[%dma_start3A_298, %mul3A_295] : memref<512x100000xf32, #tpu.memory_space<any>> -> memref<512x4096xf32, #tpu.memory_space<any>>
      tpu.enqueue_dma source(%arg8 : memref<512x4096xf32, #tpu.memory_space<vmem>>) target(%dma_start3A_299 : memref<512x4096xf32, #tpu.memory_space<any>>) target_semaphore(%dma_start3A_297 : memref<!tpu.dma_semaphore, #tpu.memory_space<semaphore_mem>>)
    } else {
    }
    %lt3A_229 = arith.constant 24 : i32
    %lt3A_230 = arith.cmpi slt, %arg0, %lt3A_229 : i32
    %jit3A_231 = arith.constant 6 : i32
    %eq3A_232 = arith.constant 0 : i32
    %eq3A_233 = arith.cmpi eq, %jit3A_231, %eq3A_232 : i32
    %jit3A_234 = arith.constant 1 : i32
    %select_n3A_235 = arith.select %eq3A_233, %jit3A_234, %jit3A_231 : i32
    %rem3A_236 = arith.remsi %arg0, %select_n3A_235 : i32
    %ne3A_237 = arith.constant 0 : i32
    %ne3A_238 = arith.cmpi ne, %rem3A_236, %ne3A_237 : i32
    %lt3A_239 = arith.constant 0 : i32
    %lt3A_240 = arith.cmpi slt, %rem3A_236, %lt3A_239 : i32
    %lt3A_241 = arith.constant 0 : i32
    %lt3A_242 = arith.cmpi slt, %select_n3A_235, %lt3A_241 : i32
    %ne3A_243 = arith.xori %lt3A_240, %lt3A_242 : i1
    %and3A_244 = arith.andi %ne3A_243, %ne3A_238 : i1
    %add3A_245 = arith.addi %rem3A_236, %select_n3A_235 : i32
    %select_n3A_246 = arith.select %and3A_244, %add3A_245, %rem3A_236 : i32
    %eq3A_247 = arith.constant 4 : i32
    %eq3A_248 = arith.cmpi eq, %select_n3A_246, %eq3A_247 : i32
    %and3A_249 = arith.andi %lt3A_230, %eq3A_248 : i1
    %convert_element_type3A_250 = arith.extui %and3A_249 : i1 to i32
    %cond3A_251 = arith.constant 0 : i32
    %cond3A_252 = arith.cmpi ne, %convert_element_type3A_250, %cond3A_251 : i32
    scf.if %cond3A_252 {
      %get3A = arith.constant 0 : index
      %get3A_282 = arith.constant 0 : index
      %get3A_283 = vector.load %arg1[%get3A, %get3A_282] : memref<512x32xf32, #tpu.memory_space<vmem>>, vector<512x32xf32>
      %get3A_284 = arith.constant 0 : index
      %get3A_285 = arith.constant 0 : index
      %get3A_286 = vector.load %arg2[%get3A_284, %get3A_285] : memref<32x4096xf32, #tpu.memory_space<vmem>>, vector<32x4096xf32>
      %dot_general3A = arith.constant dense<0.000000e+00> : vector<512x4096xf32>
      %dot_general3A_287 = tpu.matmul %get3A_283, %get3A_286, %dot_general3A {dimension_numbers = #tpu.dot_dimension_numbers<[1], [0], [0], [1], [0, 0, 1, 1], [], []>, transpose_lhs_hint = false} : vector<512x32xf32>, vector<32x4096xf32>, vector<512x4096xf32> -> vector<512x4096xf32>
      %get3A_288 = arith.constant 0 : index
      %get3A_289 = arith.constant 0 : index
      %get3A_290 = vector.load %arg3[%get3A_288, %get3A_289] : memref<1x4096xf32, #tpu.memory_space<vmem>>, vector<1x4096xf32>
      %add3A_291 = vector.broadcast %get3A_290 : vector<1x4096xf32> to vector<512x4096xf32>
      %add3A_292 = arith.addf %dot_general3A_287, %add3A_291 : vector<512x4096xf32>
      %swap3A = arith.constant 0 : index
      %swap3A_293 = arith.constant 0 : index
      %swap3A_294 = vector.load %arg9[%swap3A, %swap3A_293] : memref<512x4096xf32, #tpu.memory_space<vmem>>, vector<512x4096xf32>
      tpu.vector_store %arg9[%swap3A, %swap3A_293], %add3A_292 {strides = array<i32>} : memref<512x4096xf32, #tpu.memory_space<vmem>>, vector<512x4096xf32>,
      %mul3A = arith.constant 4096 : i32
      %mul3A_295 = arith.muli %arg0, %mul3A : i32
      %dma_start3A = arith.constant 4 : i32
      %dma_start3A_296 = tpu.memref_slice %arg12[%dma_start3A] : memref<6x!tpu.dma_semaphore, #tpu.memory_space<semaphore_mem>> -> memref<1x!tpu.dma_semaphore, #tpu.memory_space<semaphore_mem>>
      %dma_start3A_297 = tpu.memref_squeeze %dma_start3A_296 : memref<1x!tpu.dma_semaphore, #tpu.memory_space<semaphore_mem>> -> memref<!tpu.dma_semaphore, #tpu.memory_space<semaphore_mem>>
      %dma_start3A_298 = arith.constant 0 : i32
      %dma_start3A_299 = tpu.memref_slice %arg4[%dma_start3A_298, %mul3A_295] : memref<512x100000xf32, #tpu.memory_space<any>> -> memref<512x4096xf32, #tpu.memory_space<any>>
      tpu.enqueue_dma source(%arg9 : memref<512x4096xf32, #tpu.memory_space<vmem>>) target(%dma_start3A_299 : memref<512x4096xf32, #tpu.memory_space<any>>) target_semaphore(%dma_start3A_297 : memref<!tpu.dma_semaphore, #tpu.memory_space<semaphore_mem>>)
    } else {
    }
    %lt3A_253 = arith.constant 24 : i32
    %lt3A_254 = arith.cmpi slt, %arg0, %lt3A_253 : i32
    %jit3A_255 = arith.constant 6 : i32
    %eq3A_256 = arith.constant 0 : i32
    %eq3A_257 = arith.cmpi eq, %jit3A_255, %eq3A_256 : i32
    %jit3A_258 = arith.constant 1 : i32
    %select_n3A_259 = arith.select %eq3A_257, %jit3A_258, %jit3A_255 : i32
    %rem3A_260 = arith.remsi %arg0, %select_n3A_259 : i32
    %ne3A_261 = arith.constant 0 : i32
    %ne3A_262 = arith.cmpi ne, %rem3A_260, %ne3A_261 : i32
    %lt3A_263 = arith.constant 0 : i32
    %lt3A_264 = arith.cmpi slt, %rem3A_260, %lt3A_263 : i32
    %lt3A_265 = arith.constant 0 : i32
    %lt3A_266 = arith.cmpi slt, %select_n3A_259, %lt3A_265 : i32
    %ne3A_267 = arith.xori %lt3A_264, %lt3A_266 : i1
    %and3A_268 = arith.andi %ne3A_267, %ne3A_262 : i1
    %add3A_269 = arith.addi %rem3A_260, %select_n3A_259 : i32
    %select_n3A_270 = arith.select %and3A_268, %add3A_269, %rem3A_260 : i32
    %eq3A_271 = arith.constant 5 : i32
    %eq3A_272 = arith.cmpi eq, %select_n3A_270, %eq3A_271 : i32
    %and3A_273 = arith.andi %lt3A_254, %eq3A_272 : i1
    %convert_element_type3A_274 = arith.extui %and3A_273 : i1 to i32
    %cond3A_275 = arith.constant 0 : i32
    %cond3A_276 = arith.cmpi ne, %convert_element_type3A_274, %cond3A_275 : i32
    scf.if %cond3A_276 {
      %get3A = arith.constant 0 : index
      %get3A_282 = arith.constant 0 : index
      %get3A_283 = vector.load %arg1[%get3A, %get3A_282] : memref<512x32xf32, #tpu.memory_space<vmem>>, vector<512x32xf32>
      %get3A_284 = arith.constant 0 : index
      %get3A_285 = arith.constant 0 : index
      %get3A_286 = vector.load %arg2[%get3A_284, %get3A_285] : memref<32x4096xf32, #tpu.memory_space<vmem>>, vector<32x4096xf32>
      %dot_general3A = arith.constant dense<0.000000e+00> : vector<512x4096xf32>
      %dot_general3A_287 = tpu.matmul %get3A_283, %get3A_286, %dot_general3A {dimension_numbers = #tpu.dot_dimension_numbers<[1], [0], [0], [1], [0, 0, 1, 1], [], []>, transpose_lhs_hint = false} : vector<512x32xf32>, vector<32x4096xf32>, vector<512x4096xf32> -> vector<512x4096xf32>
      %get3A_288 = arith.constant 0 : index
      %get3A_289 = arith.constant 0 : index
      %get3A_290 = vector.load %arg3[%get3A_288, %get3A_289] : memref<1x4096xf32, #tpu.memory_space<vmem>>, vector<1x4096xf32>
      %add3A_291 = vector.broadcast %get3A_290 : vector<1x4096xf32> to vector<512x4096xf32>
      %add3A_292 = arith.addf %dot_general3A_287, %add3A_291 : vector<512x4096xf32>
      %swap3A = arith.constant 0 : index
      %swap3A_293 = arith.constant 0 : index
      %swap3A_294 = vector.load %arg10[%swap3A, %swap3A_293] : memref<512x4096xf32, #tpu.memory_space<vmem>>, vector<512x4096xf32>
      tpu.vector_store %arg10[%swap3A, %swap3A_293], %add3A_292 {strides = array<i32>} : memref<512x4096xf32, #tpu.memory_space<vmem>>, vector<512x4096xf32>,
      %mul3A = arith.constant 4096 : i32
      %mul3A_295 = arith.muli %arg0, %mul3A : i32
      %dma_start3A = arith.constant 5 : i32
      %dma_start3A_296 = tpu.memref_slice %arg12[%dma_start3A] : memref<6x!tpu.dma_semaphore, #tpu.memory_space<semaphore_mem>> -> memref<1x!tpu.dma_semaphore, #tpu.memory_space<semaphore_mem>>
      %dma_start3A_297 = tpu.memref_squeeze %dma_start3A_296 : memref<1x!tpu.dma_semaphore, #tpu.memory_space<semaphore_mem>> -> memref<!tpu.dma_semaphore, #tpu.memory_space<semaphore_mem>>
      %dma_start3A_298 = arith.constant 0 : i32
      %dma_start3A_299 = tpu.memref_slice %arg4[%dma_start3A_298, %mul3A_295] : memref<512x100000xf32, #tpu.memory_space<any>> -> memref<512x4096xf32, #tpu.memory_space<any>>
      tpu.enqueue_dma source(%arg10 : memref<512x4096xf32, #tpu.memory_space<vmem>>) target(%dma_start3A_299 : memref<512x4096xf32, #tpu.memory_space<any>>) target_semaphore(%dma_start3A_297 : memref<!tpu.dma_semaphore, #tpu.memory_space<semaphore_mem>>)
    } else {
    }
    %eq3A_277 = arith.constant 24 : i32
    %eq3A_278 = arith.cmpi eq, %arg0, %eq3A_277 : i32
    %convert_element_type3A_279 = arith.extui %eq3A_278 : i1 to i32
    %cond3A_280 = arith.constant 0 : i32
    %cond3A_281 = arith.cmpi ne, %convert_element_type3A_279, %cond3A_280 : i32
    scf.if %cond3A_281 {
      %get3A = arith.constant 0 : index
      %get3A_282 = arith.constant 0 : index
      %get3A_283 = vector.load %arg1[%get3A, %get3A_282] : memref<512x32xf32, #tpu.memory_space<vmem>>, vector<512x32xf32>
      %get3A_284 = arith.constant 0 : index
      %get3A_285 = arith.constant 0 : index
      %get3A_286 = vector.load %arg2[%get3A_284, %get3A_285] : memref<32x4096xf32, #tpu.memory_space<vmem>>, vector<32x4096xf32>
      %dot_general3A = arith.constant dense<0.000000e+00> : vector<512x4096xf32>
      %dot_general3A_287 = tpu.matmul %get3A_283, %get3A_286, %dot_general3A {dimension_numbers = #tpu.dot_dimension_numbers<[1], [0], [0], [1], [0, 0, 1, 1], [], []>, transpose_lhs_hint = false} : vector<512x32xf32>, vector<32x4096xf32>, vector<512x4096xf32> -> vector<512x4096xf32>
      %get3A_288 = arith.constant 0 : index
      %get3A_289 = arith.constant 0 : index
      %get3A_290 = vector.load %arg3[%get3A_288, %get3A_289] : memref<1x4096xf32, #tpu.memory_space<vmem>>, vector<1x4096xf32>
      %add3A_291 = vector.broadcast %get3A_290 : vector<1x4096xf32> to vector<512x4096xf32>
      %add3A_292 = arith.addf %dot_general3A_287, %add3A_291 : vector<512x4096xf32>
      %slice3A = vector.extract_strided_slice %add3A_292 {offsets = [0, 0], sizes = [512, 1696], strides = [1, 1]} : vector<512x4096xf32> to vector<512x1696xf32>
      %swap3A = arith.constant 0 : index
      %swap3A_293 = arith.constant 0 : index
      %swap3A_294 = vector.load %arg11[%swap3A, %swap3A_293] : memref<512x1696xf32, #tpu.memory_space<vmem>>, vector<512x1696xf32>
      tpu.vector_store %arg11[%swap3A, %swap3A_293], %slice3A {strides = array<i32>} : memref<512x1696xf32, #tpu.memory_space<vmem>>, vector<512x1696xf32>,
      %dma_start3A = arith.constant 0 : i32
      %dma_start3A_295 = arith.constant 98304 : i32
      %dma_start3A_296 = tpu.memref_slice %arg4[%dma_start3A, %dma_start3A_295] : memref<512x100000xf32, #tpu.memory_space<any>> -> memref<512x1696xf32, #tpu.memory_space<any>>
      tpu.enqueue_dma source(%arg11 : memref<512x1696xf32, #tpu.memory_space<vmem>>) target(%dma_start3A_296 : memref<512x1696xf32, #tpu.memory_space<any>>) target_semaphore(%arg13 : memref<!tpu.dma_semaphore, #tpu.memory_space<semaphore_mem>>)
      %dma_wait3A = arith.constant 1 : i32
      %dma_wait3A_297 = tpu.memref_slice %arg12[%dma_wait3A] : memref<6x!tpu.dma_semaphore, #tpu.memory_space<semaphore_mem>> -> memref<1x!tpu.dma_semaphore, #tpu.memory_space<semaphore_mem>>
      %dma_wait3A_298 = tpu.memref_squeeze %dma_wait3A_297 : memref<1x!tpu.dma_semaphore, #tpu.memory_space<semaphore_mem>> -> memref<!tpu.dma_semaphore, #tpu.memory_space<semaphore_mem>>
      %dma_wait3A_299 = arith.constant 0 : i32
      %dma_wait3A_300 = arith.constant 0 : i32
      %dma_wait3A_301 = tpu.memref_slice %arg4[%dma_wait3A_299, %dma_wait3A_300] : memref<512x100000xf32, #tpu.memory_space<any>> -> memref<512x4096xf32, #tpu.memory_space<any>>
      tpu.wait_dma2 semaphore(%dma_wait3A_298 : memref<!tpu.dma_semaphore, #tpu.memory_space<semaphore_mem>>) src(%arg6 : memref<512x4096xf32, #tpu.memory_space<vmem>>) dst(%dma_wait3A_301 : memref<512x4096xf32, #tpu.memory_space<any>>)
      %dma_wait3A_302 = arith.constant 2 : i32
      %dma_wait3A_303 = tpu.memref_slice %arg12[%dma_wait3A_302] : memref<6x!tpu.dma_semaphore, #tpu.memory_space<semaphore_mem>> -> memref<1x!tpu.dma_semaphore, #tpu.memory_space<semaphore_mem>>
      %dma_wait3A_304 = tpu.memref_squeeze %dma_wait3A_303 : memref<1x!tpu.dma_semaphore, #tpu.memory_space<semaphore_mem>> -> memref<!tpu.dma_semaphore, #tpu.memory_space<semaphore_mem>>
      %dma_wait3A_305 = arith.constant 0 : i32
      %dma_wait3A_306 = arith.constant 0 : i32
      %dma_wait3A_307 = tpu.memref_slice %arg4[%dma_wait3A_305, %dma_wait3A_306] : memref<512x100000xf32, #tpu.memory_space<any>> -> memref<512x4096xf32, #tpu.memory_space<any>>
      tpu.wait_dma2 semaphore(%dma_wait3A_304 : memref<!tpu.dma_semaphore, #tpu.memory_space<semaphore_mem>>) src(%arg7 : memref<512x4096xf32, #tpu.memory_space<vmem>>) dst(%dma_wait3A_307 : memref<512x4096xf32, #tpu.memory_space<any>>)
      %dma_wait3A_308 = arith.constant 3 : i32
      %dma_wait3A_309 = tpu.memref_slice %arg12[%dma_wait3A_308] : memref<6x!tpu.dma_semaphore, #tpu.memory_space<semaphore_mem>> -> memref<1x!tpu.dma_semaphore, #tpu.memory_space<semaphore_mem>>
      %dma_wait3A_310 = tpu.memref_squeeze %dma_wait3A_309 : memref<1x!tpu.dma_semaphore, #tpu.memory_space<semaphore_mem>> -> memref<!tpu.dma_semaphore, #tpu.memory_space<semaphore_mem>>
      %dma_wait3A_311 = arith.constant 0 : i32
      %dma_wait3A_312 = arith.constant 0 : i32
      %dma_wait3A_313 = tpu.memref_slice %arg4[%dma_wait3A_311, %dma_wait3A_312] : memref<512x100000xf32, #tpu.memory_space<any>> -> memref<512x4096xf32, #tpu.memory_space<any>>
      tpu.wait_dma2 semaphore(%dma_wait3A_310 : memref<!tpu.dma_semaphore, #tpu.memory_space<semaphore_mem>>) src(%arg8 : memref<512x4096xf32, #tpu.memory_space<vmem>>) dst(%dma_wait3A_313 : memref<512x4096xf32, #tpu.memory_space<any>>)
      %dma_wait3A_314 = arith.constant 4 : i32
      %dma_wait3A_315 = tpu.memref_slice %arg12[%dma_wait3A_314] : memref<6x!tpu.dma_semaphore, #tpu.memory_space<semaphore_mem>> -> memref<1x!tpu.dma_semaphore, #tpu.memory_space<semaphore_mem>>
      %dma_wait3A_316 = tpu.memref_squeeze %dma_wait3A_315 : memref<1x!tpu.dma_semaphore, #tpu.memory_space<semaphore_mem>> -> memref<!tpu.dma_semaphore, #tpu.memory_space<semaphore_mem>>
      %dma_wait3A_317 = arith.constant 0 : i32
      %dma_wait3A_318 = arith.constant 0 : i32
      %dma_wait3A_319 = tpu.memref_slice %arg4[%dma_wait3A_317, %dma_wait3A_318] : memref<512x100000xf32, #tpu.memory_space<any>> -> memref<512x4096xf32, #tpu.memory_space<any>>
      tpu.wait_dma2 semaphore(%dma_wait3A_316 : memref<!tpu.dma_semaphore, #tpu.memory_space<semaphore_mem>>) src(%arg9 : memref<512x4096xf32, #tpu.memory_space<vmem>>) dst(%dma_wait3A_319 : memref<512x4096xf32, #tpu.memory_space<any>>)
      %dma_wait3A_320 = arith.constant 5 : i32
      %dma_wait3A_321 = tpu.memref_slice %arg12[%dma_wait3A_320] : memref<6x!tpu.dma_semaphore, #tpu.memory_space<semaphore_mem>> -> memref<1x!tpu.dma_semaphore, #tpu.memory_space<semaphore_mem>>
      %dma_wait3A_322 = tpu.memref_squeeze %dma_wait3A_321 : memref<1x!tpu.dma_semaphore, #tpu.memory_space<semaphore_mem>> -> memref<!tpu.dma_semaphore, #tpu.memory_space<semaphore_mem>>
      %dma_wait3A_323 = arith.constant 0 : i32
      %dma_wait3A_324 = arith.constant 0 : i32
      %dma_wait3A_325 = tpu.memref_slice %arg4[%dma_wait3A_323, %dma_wait3A_324] : memref<512x100000xf32, #tpu.memory_space<any>> -> memref<512x4096xf32, #tpu.memory_space<any>>
      tpu.wait_dma2 semaphore(%dma_wait3A_322 : memref<!tpu.dma_semaphore, #tpu.memory_space<semaphore_mem>>) src(%arg10 : memref<512x4096xf32, #tpu.memory_space<vmem>>) dst(%dma_wait3A_325 : memref<512x4096xf32, #tpu.memory_space<any>>)
      %dma_wait3A_326 = arith.constant 0 : i32
      %dma_wait3A_327 = arith.constant 98304 : i32
      %dma_wait3A_328 = tpu.memref_slice %arg4[%dma_wait3A_326, %dma_wait3A_327] : memref<512x100000xf32, #tpu.memory_space<any>> -> memref<512x1696xf32, #tpu.memory_space<any>>
      tpu.wait_dma2 semaphore(%arg13 : memref<!tpu.dma_semaphore, #tpu.memory_space<semaphore_mem>>) src(%arg11 : memref<512x1696xf32, #tpu.memory_space<vmem>>) dst(%dma_wait3A_328 : memref<512x1696xf32, #tpu.memory_space<any>>)
    } else {
    }
    return
  }
  func.func @transform_0(%arg0: i32) -> (i32, i32) {
    %c0_i32 = arith.constant 0 : i32
    %c0_i32_0 = arith.constant 0 : i32
    %c0_i32_1 = arith.constant 0 : i32
    return %c0_i32, %c0_i32_0 : i32, i32
  }
  func.func @transform_1(%arg0: i32) -> (i32, i32) {
    %c0_i32 = arith.constant 0 : i32
    %c0_i32_0 = arith.constant 0 : i32
    return %c0_i32, %arg0 : i32, i32
  }
  func.func @transform_2(%arg0: i32) -> (i32, i32) {
    %c0_i32 = arith.constant 0 : i32
    %c0_i32_0 = arith.constant 0 : i32
    return %c0_i32, %arg0 : i32, i32
  }
}

</mosaic_0001>

<sc_bundles>
// kernel: kernel.4.cloned.1.call-start
scs
__scs_entry_jumppad:
0x0: {  	(pc) =	sbr.rel $0x88, $3  }
0x1: {  	(tag) =	ssettag $0x0;
	lr =	simm.s32 $0x1  }
0x2: {  	[smem:$0x3F9D] =	sst lr;
	_ =	strace $0xD0000000  }
0x3: {  	_ = 	snop  }
0x4: {  	_ = 	snop  }
0x5: {  	_ = 	snop  }
0x6: {  	_ = 	snop  }
0x7: {  	_ = 	snop  }
__scs_overlays_trampoline_lowered:
0x8: {  	[smem:$0x3FAC] =	sst s0  }
0x9: {  	[smem:$0x3FAD] =	sst s1  }
0xa: {  	[smem:$0x3FAE] =	sst s2  }
0xb: {  	[smem:$0x3FAF] =	sst s3  }
0xc: {  	[smem:$0x3FB0] =	sst s4  }
0xd: {  	[smem:$0x3FB1] =	sst s5  }
0xe: {  	[smem:$0x3FB2] =	sst s6  }
0xf: {  	[smem:$0x3FB3] =	sst s7  }
0x10: {  	[smem:$0x3FB4] =	sst s8  }
0x11: {  	[smem:$0x3FB5] =	sst s9;
	s0 =	simm.s32 @!p0 $0x0  }
0x12: {  	s1 =	sld [smem:$0x3F9B];
	s0 =	simm.s32 @p0 $0x1  }
0x13: {  	[smem:$0x3FB6] =	sst s0;
	s0 =	simm.s32 @!p1 $0x0  }
0x14: {  	s2 =	sld [smem:$0x3F9A];
	s0 =	simm.s32 @p1 $0x1  }
0x15: {  	[smem:$0x3FB7] =	sst s0;
	s0 =	simm.s32 @!p2 $0x0  }
0x16: {  	s3 =	sld [smem:$0x3FDB];
	s0 =	simm.s32 @p2 $0x1  }
0x17: {  	s4 =	simm.s32 $0x1BF5;
	[smem:$0x3FB9] =	sst s0  }
0x18: {  	s0 =	sld [smem:$0x3F9C];
	_ =	swait.ge [sflag:s4], $0x0  }
0x19: {  	s7 =	sld [smem:$0x3F9D]  }
0x1a: {  	s8 =	sadd.s32 $0xFFFFE003, lr  }
0x1b: {  	s9 =	sadd.s32 $0xFFFFFEF7, lr;
	s5 =	simm.s32 $0xFFFFFFFF;
	p2 =	slt.u32 s8, $0xFFFFF086  }
0x1c: {  	p1 =	slt.u32 s9, $0xF7A;
	s5 =	simm.s32 @!p2 $0x0  }
0x1d: {  	s5 =	simm.s32 @p1 $0x1;
	p0 =	seq.s32 s7, s2  }
0x1e: {  	s7 =	smul.u32 @!p0 $0xF7A, s2;
	p2 =	seq.s32 @!p0 s5, $0x0  }
0x1f: {  	s9 =	smul.u32 $0xF7A, s1;
	s8 =	simm.s32 @!p0 $0x1BF5;
	p2 =	por !p2, p0  }
0x20: {  	[sflag:s8] =	ssyncset.s32 @!p0 $0xFFFFF086;
	s6 =	sadd.s32 @!p0 s3, s7;
	s7 =	simm.s32 @!p0 $0x108  }
0x21: {  	s3 =	sadd.s32 s3, s9;
	s6 =	sadd.s32 @!p0 $0x88, s6;
	s7 =	simm.s32 @p2 $0x1082  }
0x22: {  	[simem:s7], [sflag:s8] =	dma.local @!p0 [hbm:s6], $0xF7A  }
0x23: {  	s9 =	sor.u32 $0xD0000000, s2;
	s6 =	simm.s32 $0x108;
	_ =	swait.ge @!p0 [sflag:s8], $0x0  }
0x24: {  	s3 =	sadd.s32 $0x88, s3;
	s6 =	simm.s32 @!p1 $0x1082;
	[sflag:s4] =	ssyncset.s32 $0xFFFFF086  }
0x25: {  	[simem:s6], [sflag:s4] =	dma.local [hbm:s3], $0xF7A  }
0x26: {  	[smem:$0x3F9D] =	sst s1;
	(tag) =	ssettag s2;
	_ =	strace s9  }
0x27: {  	s1 =	sld [smem:$0x3FAD]  }
0x28: {  	s2 =	sld [smem:$0x3FAE]  }
0x29: {  	s4 =	sld [smem:$0x3FB0]  }
0x2a: {  	p0 =	seq.s32 s5, $0x0;
	s5 =	sld [smem:$0x3FB1]  }
0x2b: {  	s6 =	sld [smem:$0x3FB2]  }
0x2c: {  	s7 =	sld [smem:$0x3FB3]  }
0x2d: {  	s3 =	simm.s32 $0x108;
	s8 =	sld [smem:$0x3FB4]  }
0x2e: {  	s3 =	simm.s32 @!p0 $0x1082;
	s9 =	sld [smem:$0x3FB5]  }
0x2f: {  	lr =	sadd.s32 s0, s3;
	s0 =	sld [smem:$0x3FAC]  }
0x30: {  	s3 =	sld [smem:$0x3FAF]  }
0x31: {  	[smem:$0x3FB8] =	sst s10  }
0x32: {  	s10 =	sld [smem:$0x3FB6];
	_ =	sdelay $0x3  }
0x33: {  	p0 =	seq.s32 s10, $0x1;
	s10 =	sld [smem:$0x3FB8];
	_ =	sdelay $0x3  }
0x34: {  	[smem:$0x3FB8] =	sst s10  }
0x35: {  	s10 =	sld [smem:$0x3FB7];
	_ =	sdelay $0x3  }
0x36: {  	p1 =	seq.s32 s10, $0x1;
	s10 =	sld [smem:$0x3FB8];
	_ =	sdelay $0x3  }
0x37: {  	[smem:$0x3FB8] =	sst s10  }
0x38: {  	s10 =	sld [smem:$0x3FB9]  }
0x39: {  	_ = 	snop;
	(pc) =	sbr.ind lr, $3  }
0x3a: {  	_ = 	snop  }
0x3b: {  	_ = 	snop  }
0x3c: {  	p2 =	seq.s32 s10, $0x1;
	s10 =	sld [smem:$0x3FB8]  }
0x3d: {  	_ =	shalt  }
0x3e: {  	_ =	shalt  }
0x3f: {  	_ =	shalt  }
0x40: {  	_ =	shalt  }
0x41: {  	_ =	shalt  }
0x42: {  	_ =	shalt  }
0x43: {  	_ =	shalt  }
0x44: {  	_ =	shalt  }
0x45: {  	_ =	shalt  }
0x46: {  	_ =	shalt  }
0x47: {  	_ =	shalt  }
0x48: {  	_ =	shalt  }
0x49: {  	_ =	shalt  }
0x4a: {  	_ =	shalt  }
0x4b: {  	_ =	shalt  }
0x4c: {  	_ =	shalt  }
0x4d: {  	_ =	shalt  }
0x4e: {  	_ =	shalt  }
0x4f: {  	_ =	shalt  }
0x50: {  	_ =	shalt  }
0x51: {  	_ =	shalt  }
0x52: {  	_ =	shalt  }
0x53: {  	_ =	shalt  }
0x54: {  	_ =	shalt  }
0x55: {  	_ =	shalt  }
0x56: {  	_ =	shalt  }
0x57: {  	_ =	shalt  }
0x58: {  	_ =	shalt  }
0x59: {  	_ =	shalt  }
0x5a: {  	_ =	shalt  }
0x5b: {  	_ =	shalt  }
0x5c: {  	_ =	shalt  }
0x5d: {  	_ =	shalt  }
0x5e: {  	_ =	shalt  }
0x5f: {  	_ =	shalt  }
0x60: {  	_ =	shalt  }
0x61: {  	_ =	shalt  }
0x62: {  	_ =	shalt  }
0x63: {  	_ =	shalt  }
0x64: {  	_ =	shalt  }
0x65: {  	_ =	shalt  }
0x66: {  	_ =	shalt  }
0x67: {  	_ =	shalt  }
0x68: {  	_ =	shalt  }
0x69: {  	_ =	shalt  }
0x6a: {  	_ =	shalt  }
0x6b: {  	_ =	shalt  }
0x6c: {  	_ =	shalt  }
0x6d: {  	_ =	shalt  }
0x6e: {  	_ =	shalt  }
0x6f: {  	_ =	shalt  }
0x70: {  	_ =	shalt  }
0x71: {  	_ =	shalt  }
0x72: {  	_ =	shalt  }
0x73: {  	_ =	shalt  }
0x74: {  	_ =	shalt  }
0x75: {  	_ =	shalt  }
0x76: {  	_ =	shalt  }
0x77: {  	_ =	shalt  }
0x78: {  	_ =	shalt  }
0x79: {  	_ =	shalt  }
0x7a: {  	_ =	shalt  }
0x7b: {  	_ =	shalt  }
0x7c: {  	_ =	shalt  }
0x7d: {  	_ =	shalt  }
0x7e: {  	_ =	shalt  }
0x7f: {  	_ =	shalt  }
0x80: {  	_ =	shalt  }
0x81: {  	_ =	shalt  }
0x82: {  	_ =	shalt  }
0x83: {  	_ =	shalt  }
0x84: {  	_ =	shalt  }
0x85: {  	_ =	shalt  }
0x86: {  	_ =	shalt  }
0x87: {  	_ =	shalt  }
.Lfunc_end0:
.L_simem_size_0:
called_computation_lowered:
.L_overlay_start_0:
0x88: {  	s2 =	sld [smem:$0x3FD9]  }
0x89: {  	s3 =	sld [smem:$0x3FFE];
	_ =	sdelay $0x1  }
0x8a: {  	s1 =	srdreg.scid  }
0x8b: {  	s0 =	sand.u32 $0x1, s1  }
0x8c: {  	s17 =	sshll.u32 s0, $0xA;
	s2 =	sadd.s32 s3, s2  }
0x8d: {  	s2 =	sadd.s32 s2, s17  }
0x8e: {  	[smem:$0x3FC4] =	sst s2  }
0x8f: {  	_ = 	snop  }
0x90: {  	s2 =	sld [smem:$0x3FD0];
	(tm) =	ssettm $0x1  }
0x91: {  	s18 =	sld [smem:$0x3FFB];
	_ =	sdelay $0x3  }
0x92: {  	_ =	strace s18  }
0x93: {  	s3 =	sld [smem:$0x3FFC];
	_ =	sdelay $0x3  }
0x94: {  	_ =	strace s3  }
0x95: {  	s3 =	sld [smem:$0x3FFD];
	_ =	sdelay $0x3  }
0x96: {  	_ =	strace s3  }
0x97: {  	_ =	strace $0x8FFFFFFF  }
0x98: {  	s19 =	sld [smem:$0x3FDB];
	_ =	sdelay $0x1  }
0x99: {  	s4 =	simm.s32 $_scs_section_size  }
0x9a: {  	s5 =	simm.s32 $_size__tile_overlayer_lowered;
	s6 =	simm.s32 $_tile_overlayer_lowered  }
0x9b: {  	s22 =	simm.s32 $0x1BFF;
	s21 =	sshll.u32 s6, $0x1;
	s3 =	sadd.s32 s4, s19  }
0x9c: {  	s7 =	simm.s32 $0x0;
	s20 =	sshll.u32 s5, $0x1;
	s5 =	sadd.s32 s21, s3  }
0x9d: {  	[timem:s7], [sflag:s22] =	dma.local [hbm:s5], s20  }
0x9e: {  	_ =	swait.ge [sflag:s22], s20  }
0x9f: {  	s4 =	ssub.s32 $0x0, s20;
	[sflag:s22] =	ssyncset.done $0x0  }
0xa0: {  	[sflag:s22] =	ssyncadd.s32 s4;
	_ =	sdelay $0x1  }
0xa1: {  	s23 =	simm.s32 $0x1B8B  }
0xa2: {  	_ =	swait.ge [sflag:s23], $0x1  }
0xa3: {  	[sflag:s23] =	ssyncset.done $0x0  }
0xa4: {  	s25 =	simm.s32 $0x1B8E;
	s24 =	sld [smem:$0x3FFE];
	[sflag:s23] =	ssyncadd.s32 $0xFFFFFFFF  }
0xa5: {  	s26 =	simm.s32 $execute0_lowered;
	[smem:$0x3FD2] =	sst s25  }
0xa6: {  	s5 =	sshll.u32 s26, $0x1;
	_ =	strace $0x80000046;
	[dreg:$0x1] =	wrdreg $0xFFFFFFFF  }
0xa7: {  	s28 =	simm.s32 $_size_execute0_lowered;
	s3 =	sadd.s32 s3, s5;
	[dreg:$0x0] =	wrdreg $0x0  }
0xa8: {  	s5 =	sshll.u32 s28, $0x1;
	[dreg:$0x2] =	wrdreg s3  }
0xa9: {  	[dreg:$0x3] =	wrdreg s5  }
0xaa: {  	[dreg:$0x4] =	wrdreg $0xC0  }
0xab: {  	_ =	task [dreg:s7], $0x5FFFF  }
0xac: {  	[dreg:$0x1] =	wrdreg $0xFFFFFFFF  }
0xad: {  	[dreg:$0x0] =	wrdreg $0x60  }
0xae: {  	[dreg:$0x2] =	wrdreg s2  }
0xaf: {  	[dreg:$0x3] =	wrdreg s24  }
0xb0: {  	[dreg:$0x4] =	wrdreg $0x9  }
0xb1: {  	_ =	task.clear_ibuf [dreg:s7], $0x5FFFF;
	_ =	strace $0x90000046  }
0xb2: {  	s29 =	simm.s32 $0x9;
	_ =	strace $0x80000048  }
0xb3: {  	_ =	swait.ge [sflag:s29], $0x1  }
0xb4: {  	[sflag:s29] =	ssyncadd.s32 $0xFFFFFFFF  }
0xb5: {  	_ =	strace $0x90000048  }
0xb6: {  	_ =	sfence  }
0xb7: {  	s30 =	sld [smem:$0x0];
	_ =	sdelay $0x2  }
0xb8: {  	s31 =	sshll.u32 s1, $0xD;
	s1 =	sshrl.u32 s1, $0x2  }
0xb9: {  	s3 =	sand.u32 $0x4000, s31;
	s1 =	sadd.s32 s1, s30  }
0xba: {  	s0 =	sor.u32 s3, s0;
	s1 =	sshll.u32 s1, $0x11  }
0xbb: {  	s0 =	sor.u32 s1, s0  }
0xbc: {  	s0 =	sadd.s32 $0x8F2B, s0  }
0xbd: {  	[sflag:s0] =	ssyncadd.remote.s32 $0x1  }
0xbe: {  	_ =	sfence.sel $0xFFFF  }
0xbf: {  	[dreg:$0x0] =	wrdreg $0xFFFFFFFF;
	(pc) =	sbr.abs _section_cstart, $3  }
0xc0: {  	[dreg:$0x1] =	wrdreg $0xFFFFFFFF  }
0xc1: {  	_ =	task.clear_ibuf [dreg:s7], $0x2FFFF;
	_ =	strace $0x9FFFFFFF  }
0xc2: {  	(tm) =	ssettm $0x7FFFFFFF  }
0xc3: {  	_ =	shalt  }
tec
execute0_lowered:
.L_overlay_start_1:
0x0: {  	(tag) =	ssettag $0x1  }
0x1: {  	s1 =	srdreg.scid  }
0x2: {  	s0 =	stileid.u32;
	s5 =	rddreg [dreg:$0x0];
	s3 =	sand.u32 $0x1, s1  }
0x3: {  	s4 =	rddreg [dreg:$0x1];
	s12 =	sshll.u32 s0, $0x5;
	s2 =	sshll.u32 s3, $0x4  }
0x4: {  	s1 =	rddreg [dreg:$0x2];
	s6 =	sor.u32 s2, s12;
	s2 =	simm.s32 $0x0  }
0x5: {  	s14 =	simm.s32 $0x100;
	[smem:$0x7FF] =	sst s2  }
0x6: {  	s15 =	simm.s32 $0x180;
	_ =	strace $0x80000047;
	[dreg:$0x5] =	wrdreg s14  }
0x7: {  	s16 =	simm.s32 $0x200;
	[dreg:$0x6] =	wrdreg s15  }
0x8: {  	s17 =	simm.s32 $0x280;
	[dreg:$0x7] =	wrdreg s16  }
0x9: {  	s18 =	simm.s32 $0x300;
	[dreg:$0x8] =	wrdreg s17  }
0xa: {  	s19 =	simm.s32 $0x380;
	[dreg:$0x9] =	wrdreg s18  }
0xb: {  	s20 =	simm.s32 $0x400;
	s21 =	simm.s32 $0x480;
	[dreg:$0xa] =	wrdreg s19  }
0xc: {  	s22 =	simm.s32 $0x500;
	s23 =	simm.s32 $0x580;
	[dreg:$0xb] =	wrdreg s20  }
0xd: {  	s25 =	simm.s32 $0x600;
	s26 =	simm.s32 $0x680;
	[dreg:$0xc] =	wrdreg s21  }
0xe: {  	s29 =	simm.s32 $0x700;
	s3 =	ssub.s32 $0x2, s3;
	[dreg:$0xd] =	wrdreg s22  }
0xf: {  	s30 =	simm.s32 $0x780;
	s24 =	sshrl.u32 s3, $0x1;
	[dreg:$0xe] =	wrdreg s23  }
0x10: {  	s31 =	simm.s32 $0x800;
	s3 =	ssub.s32 s3, s24;
	[dreg:$0xf] =	wrdreg s25  }
0x11: {  	s7 =	sshrl.u32 s6, $0x3;
	s28 =	smax.u32 s3, $0x1;
	[dreg:$0x10] =	wrdreg s26  }
0x12: {  	s6 =	sshll.u32 s6, $0x4;
	[dreg:$0x11] =	wrdreg s29;
	p1 =	sne.s32 s28, $0x1  }
.Ltmp0:
0x13: {  	s7 =	sadd.s32 s7, s4;
	[dreg:$0x12] =	wrdreg s30;
	(pc) =	sbr.rel @!p1 .LBB2_3-.Ltmp0, $4  }
0x14: {  	s4 =	sadd.s32 s6, s4;
	[dreg:$0x13] =	wrdreg s31;
	s13 =	sadd.s32 $0x600, s7  }
0x15: {  	p0 =	por $0x0, $0x0;
	s4 =	sadd.s32 $0x800, s4;
	[dreg:$0x3] =	wrdreg s13  }
0x16: {  	s3 =	simm.s32 $0x2;
	s6 =	simm.s32 $0x1;
	[dreg:$0x4] =	wrdreg s4  }
0x17: {  	s7 =	sadd.s32 $0xFFFFFFFF, s28;
	s4 =	simm.s32 $0x80;
	s8 =	rddreg [dreg:$0x3]  }
0x18: {  	[tilespmem:s2], [sflag:$0x2] =	stream.linear.gather [hbm4b:s8+s2], $0x10, $0x38;
	[tilespmem:$0x880] =	vst v63  }
0x19: {  	_ =	swait.ge [sflag:s3], $0x10  }
0x1a: {  	[sflag:s3] =	ssyncset.done $0x0  }
0x1b: {  	[sflag:s3] =	ssyncadd.s32 $0xFFFFFFF0  }
0x1c: {  	v0 =	vld [tilespmem:$0x0];
	_ =	sdelay $0x4  }
0x1d: {  	v0 =	vshll.u32 v0, $0x4  }
0x1e: {  	(v2sf) =	vpush v0, $0x0  }
0x1f: {  	(v2sf) =	vpush v0, $0x1  }
0x20: {  	(v2sf) =	vpush v0, $0x2;
	_ =	sdelay $0x1  }
0x21: {  	s9 =	rddreg [dreg:$0x11];
	(v2sf) =	vpush v0, $0x3  }
0x22: {  	s10 =	rddreg [dreg:$0x10]  }
0x23: {  	s11 =	rddreg [dreg:$0xf];
	(v2sf) =	vpush v0, $0x4  }
0x24: {  	s12 =	rddreg [dreg:$0xe]  }
0x25: {  	s13 =	rddreg [dreg:$0xd];
	(v2sf) =	vpush v0, $0x5  }
0x26: {  	s14 =	rddreg [dreg:$0xc]  }
0x27: {  	s15 =	rddreg [dreg:$0xb];
	(v2sf) =	vpush v0, $0x6  }
0x28: {  	s16 =	rddreg [dreg:$0xa]  }
0x29: {  	s17 =	rddreg [dreg:$0x9];
	(v2sf) =	vpush v0, $0x7  }
0x2a: {  	s18 =	rddreg [dreg:$0x8]  }
0x2b: {  	s19 =	rddreg [dreg:$0x7];
	(v2sf) =	vpush v0, $0x8  }
0x2c: {  	s20 =	rddreg [dreg:$0x6];
	s21 =	spop (v2sf)  }
0x2d: {  	s22 =	rddreg [dreg:$0x5];
	(v2sf) =	vpush v0, $0x9;
	s21 =	sand.u32 $0x1FFFFFF0, s21;
	s23 =	spop (v2sf)  }
0x2e: {  	s21 =	sadd.s32 s5, s21;
	s23 =	sand.u32 $0x1FFFFFF0, s23;
	s24 =	spop (v2sf)  }
0x2f: {  	(v2sf) =	vpush v0, $0xA;
	[tilespmem:s4], [sflag:$0x1] =	stream.linear.gather [hbm4b:s21+s2], $0x80, $0x38;
	[tilespmem:$0x880] =	vst v63  }
0x30: {  	s25 =	sadd.s32 s5, s23;
	s26 =	sand.u32 $0x1FFFFFF0, s24;
	s28 =	spop (v2sf)  }
0x31: {  	(v2sf) =	vpush v0, $0xB;
	[tilespmem:s22], [sflag:$0x1] =	stream.linear.gather [hbm4b:s25+s2], $0x80, $0x38;
	[tilespmem:$0x880] =	vst v63  }
0x32: {  	s29 =	sadd.s32 s5, s26;
	s30 =	sand.u32 $0x1FFFFFF0, s28;
	s31 =	spop (v2sf)  }
0x33: {  	(v2sf) =	vpush v0, $0xC;
	[tilespmem:s20], [sflag:$0x1] =	stream.linear.gather [hbm4b:s29+s2], $0x80, $0x38;
	[tilespmem:$0x880] =	vst v63  }
0x34: {  	s22 =	sadd.s32 s5, s30;
	s23 =	sand.u32 $0x1FFFFFF0, s31;
	s24 =	spop (v2sf)  }
0x35: {  	(v2sf) =	vpush v0, $0xD;
	[tilespmem:s19], [sflag:$0x1] =	stream.linear.gather [hbm4b:s22+s2], $0x80, $0x38;
	[tilespmem:$0x880] =	vst v63  }
0x36: {  	s25 =	sadd.s32 s5, s23;
	s26 =	sand.u32 $0x1FFFFFF0, s24;
	s28 =	spop (v2sf)  }
0x37: {  	(v2sf) =	vpush v0, $0xE;
	[tilespmem:s18], [sflag:$0x1] =	stream.linear.gather [hbm4b:s25+s2], $0x80, $0x38;
	[tilespmem:$0x880] =	vst v63  }
0x38: {  	s29 =	sadd.s32 s5, s26;
	s30 =	sand.u32 $0x1FFFFFF0, s28;
	s31 =	spop (v2sf)  }
0x39: {  	(v2sf) =	vpush v0, $0xF;
	[tilespmem:s17], [sflag:$0x1] =	stream.linear.gather [hbm4b:s29+s2], $0x80, $0x38;
	[tilespmem:$0x880] =	vst v63  }
0x3a: {  	s20 =	sand.u32 $0x1FFFFFF0, s31;
	s21 =	spop (v2sf);
	s19 =	sadd.s32 s5, s30  }
0x3b: {  	[tilespmem:s16], [sflag:$0x1] =	stream.linear.gather [hbm4b:s19+s2], $0x80, $0x38;
	[tilespmem:$0x880] =	vst v63  }
0x3c: {  	s22 =	sadd.s32 s5, s20;
	s23 =	sand.u32 $0x1FFFFFF0, s21;
	s24 =	spop (v2sf)  }
0x3d: {  	[tilespmem:s15], [sflag:$0x1] =	stream.linear.gather [hbm4b:s22+s2], $0x80, $0x38;
	[tilespmem:$0x880] =	vst v63  }
0x3e: {  	s25 =	sadd.s32 s5, s23;
	s26 =	sand.u32 $0x1FFFFFF0, s24;
	s28 =	spop (v2sf)  }
0x3f: {  	[tilespmem:s14], [sflag:$0x1] =	stream.linear.gather [hbm4b:s25+s2], $0x80, $0x38;
	[tilespmem:$0x880] =	vst v63  }
0x40: {  	s29 =	sadd.s32 s5, s26;
	s30 =	sand.u32 $0x1FFFFFF0, s28;
	s31 =	spop (v2sf)  }
0x41: {  	[tilespmem:s13], [sflag:$0x1] =	stream.linear.gather [hbm4b:s29+s2], $0x80, $0x38;
	[tilespmem:$0x880] =	vst v63  }
0x42: {  	s15 =	sand.u32 $0x1FFFFFF0, s31;
	s16 =	spop (v2sf);
	s14 =	sadd.s32 s5, s30  }
0x43: {  	[tilespmem:s12], [sflag:$0x1] =	stream.linear.gather [hbm4b:s14+s2], $0x80, $0x38;
	[tilespmem:$0x880] =	vst v63  }
0x44: {  	s17 =	sadd.s32 s5, s15;
	s18 =	sand.u32 $0x1FFFFFF0, s16;
	s19 =	spop (v2sf)  }
0x45: {  	[tilespmem:s11], [sflag:$0x1] =	stream.linear.gather [hbm4b:s17+s2], $0x80, $0x38;
	[tilespmem:$0x880] =	vst v63  }
0x46: {  	s20 =	sadd.s32 s5, s18;
	s21 =	sand.u32 $0x1FFFFFF0, s19;
	s22 =	spop (v2sf)  }
0x47: {  	[tilespmem:s10], [sflag:$0x1] =	stream.linear.gather [hbm4b:s20+s2], $0x80, $0x38;
	[tilespmem:$0x880] =	vst v63  }
0x48: {  	s23 =	sadd.s32 s5, s21;
	s24 =	sand.u32 $0x1FFFFFF0, s22;
	s25 =	spop (v2sf)  }
0x49: {  	[tilespmem:s9], [sflag:$0x1] =	stream.linear.gather [hbm4b:s23+s2], $0x80, $0x38;
	[tilespmem:$0x880] =	vst v63  }
0x4a: {  	s8 =	rddreg [dreg:$0x12];
	s26 =	sadd.s32 s5, s24;
	s28 =	sand.u32 $0x1FFFFFF0, s25  }
0x4b: {  	[tilespmem:s8], [sflag:$0x1] =	stream.linear.gather [hbm4b:s26+s2], $0x80, $0x38;
	[tilespmem:$0x880] =	vst v63  }
0x4c: {  	s29 =	rddreg [dreg:$0x13];
	s30 =	sadd.s32 s5, s28  }
0x4d: {  	[tilespmem:s29], [sflag:$0x1] =	stream.linear.gather [hbm4b:s30+s2], $0x80, $0x38;
	[tilespmem:$0x880] =	vst v63  }
0x4e: {  	_ =	swait.ge [sflag:s6], $0x80  }
0x4f: {  	[sflag:s6] =	ssyncset.done $0x0  }
0x50: {  	[sflag:s6] =	ssyncadd.s32 $0xFFFFFF80  }
0x51: {  	_ =	swait.ge [sflag:s6], $0x80  }
0x52: {  	[sflag:s6] =	ssyncset.done $0x0  }
0x53: {  	[sflag:s6] =	ssyncadd.s32 $0xFFFFFF80  }
0x54: {  	_ =	swait.ge [sflag:s6], $0x80  }
0x55: {  	[sflag:s6] =	ssyncset.done $0x0  }
0x56: {  	[sflag:s6] =	ssyncadd.s32 $0xFFFFFF80  }
0x57: {  	_ =	swait.ge [sflag:s6], $0x80  }
0x58: {  	[sflag:s6] =	ssyncset.done $0x0  }
0x59: {  	[sflag:s6] =	ssyncadd.s32 $0xFFFFFF80  }
0x5a: {  	_ =	swait.ge [sflag:s6], $0x80  }
0x5b: {  	[sflag:s6] =	ssyncset.done $0x0  }
0x5c: {  	[sflag:s6] =	ssyncadd.s32 $0xFFFFFF80  }
0x5d: {  	_ =	swait.ge [sflag:s6], $0x80  }
0x5e: {  	[sflag:s6] =	ssyncset.done $0x0  }
0x5f: {  	[sflag:s6] =	ssyncadd.s32 $0xFFFFFF80  }
0x60: {  	_ =	swait.ge [sflag:s6], $0x80  }
0x61: {  	[sflag:s6] =	ssyncset.done $0x0  }
0x62: {  	[sflag:s6] =	ssyncadd.s32 $0xFFFFFF80  }
0x63: {  	_ =	swait.ge [sflag:s6], $0x80  }
0x64: {  	[sflag:s6] =	ssyncset.done $0x0  }
0x65: {  	[sflag:s6] =	ssyncadd.s32 $0xFFFFFF80  }
0x66: {  	_ =	swait.ge [sflag:s6], $0x80  }
0x67: {  	[sflag:s6] =	ssyncset.done $0x0  }
0x68: {  	[sflag:s6] =	ssyncadd.s32 $0xFFFFFF80  }
0x69: {  	_ =	swait.ge [sflag:s6], $0x80  }
0x6a: {  	[sflag:s6] =	ssyncset.done $0x0  }
0x6b: {  	[sflag:s6] =	ssyncadd.s32 $0xFFFFFF80  }
0x6c: {  	_ =	swait.ge [sflag:s6], $0x80  }
0x6d: {  	[sflag:s6] =	ssyncset.done $0x0  }
0x6e: {  	[sflag:s6] =	ssyncadd.s32 $0xFFFFFF80  }
0x6f: {  	_ =	swait.ge [sflag:s6], $0x80  }
0x70: {  	[sflag:s6] =	ssyncset.done $0x0  }
0x71: {  	[sflag:s6] =	ssyncadd.s32 $0xFFFFFF80  }
0x72: {  	_ =	swait.ge [sflag:s6], $0x80  }
0x73: {  	[sflag:s6] =	ssyncset.done $0x0  }
0x74: {  	[sflag:s6] =	ssyncadd.s32 $0xFFFFFF80  }
0x75: {  	_ =	swait.ge [sflag:s6], $0x80  }
0x76: {  	[sflag:s6] =	ssyncset.done $0x0  }
0x77: {  	[sflag:s6] =	ssyncadd.s32 $0xFFFFFF80  }
0x78: {  	_ =	swait.ge [sflag:s6], $0x80  }
0x79: {  	[sflag:s6] =	ssyncset.done $0x0  }
0x7a: {  	[sflag:s6] =	ssyncadd.s32 $0xFFFFFF80  }
0x7b: {  	p1 =	sne.s32 s7, $0x1;
	_ =	swait.ge [sflag:s6], $0x80  }
.Ltmp1:
0x7c: {  	[sflag:s6] =	ssyncset.done $0x0;
	(pc) =	sbr.rel @!p1 .LBB2_3-.Ltmp1, $4  }
0x7d: {  	s31 =	rddreg [dreg:$0x4];
	[sflag:s6] =	ssyncadd.s32 $0xFFFFFF80  }
0x7e: {  	[hbm4b:s31+s2] =	stream.linear.scatter [tilespmem:s4], [sflag:$0x2], $0x800, $0x38;
	[tilespmem:$0x880] =	vst v63  }
0x7f: {  	s7 =	sadd.s32 $0xFFFFFFFF, s7;
	_ =	swait.ge [sflag:s3], $0x800  }
0x80: {  	p0 =	por $0x1, $0x1;
	s8 =	rddreg [dreg:$0x3];
	[sflag:s3] =	ssyncset.done $0x0  }
.LBB2_2:
0x81: {  	[sflag:s3] =	ssyncadd.s32 $0xFFFFF800  }
0x82: {  	[tilespmem:s2], [sflag:$0x2] =	stream.linear.gather [hbm4b:s8+s2], $0x10, $0x38;
	[tilespmem:$0x880] =	vst v63  }
0x83: {  	_ =	swait.ge [sflag:s3], $0x10  }
0x84: {  	[sflag:s3] =	ssyncset.done $0x0  }
0x85: {  	[sflag:s3] =	ssyncadd.s32 $0xFFFFFFF0  }
0x86: {  	v0 =	vld [tilespmem:$0x0];
	_ =	sdelay $0x4  }
0x87: {  	v0 =	vshll.u32 v0, $0x4  }
0x88: {  	(v2sf) =	vpush v0, $0x0  }
0x89: {  	(v2sf) =	vpush v0, $0x1  }
0x8a: {  	(v2sf) =	vpush v0, $0x2;
	_ =	sdelay $0x1  }
0x8b: {  	s9 =	rddreg [dreg:$0x11];
	(v2sf) =	vpush v0, $0x3  }
0x8c: {  	s10 =	rddreg [dreg:$0x10]  }
0x8d: {  	s11 =	rddreg [dreg:$0xf];
	(v2sf) =	vpush v0, $0x4  }
0x8e: {  	s12 =	rddreg [dreg:$0xe]  }
0x8f: {  	s13 =	rddreg [dreg:$0xd];
	(v2sf) =	vpush v0, $0x5  }
0x90: {  	s14 =	rddreg [dreg:$0xc]  }
0x91: {  	s15 =	rddreg [dreg:$0xb];
	(v2sf) =	vpush v0, $0x6  }
0x92: {  	s16 =	rddreg [dreg:$0xa]  }
0x93: {  	s17 =	rddreg [dreg:$0x9];
	(v2sf) =	vpush v0, $0x7  }
0x94: {  	s18 =	rddreg [dreg:$0x8]  }
0x95: {  	s19 =	rddreg [dreg:$0x7];
	(v2sf) =	vpush v0, $0x8  }
0x96: {  	s20 =	rddreg [dreg:$0x6];
	s21 =	spop (v2sf)  }
0x97: {  	s22 =	rddreg [dreg:$0x5];
	s21 =	sand.u32 $0x1FFFFFF0, s21;
	s23 =	spop (v2sf);
	(v2sf) =	vpush v0, $0x9  }
0x98: {  	s21 =	sadd.s32 s5, s21;
	s23 =	sand.u32 $0x1FFFFFF0, s23;
	s24 =	spop (v2sf)  }
0x99: {  	(v2sf) =	vpush v0, $0xA;
	[tilespmem:s4], [sflag:$0x1] =	stream.linear.gather [hbm4b:s21+s2], $0x80, $0x38;
	[tilespmem:$0x880] =	vst v63  }
0x9a: {  	s25 =	sadd.s32 s5, s23;
	s26 =	sand.u32 $0x1FFFFFF0, s24;
	s28 =	spop (v2sf)  }
0x9b: {  	(v2sf) =	vpush v0, $0xB;
	[tilespmem:s22], [sflag:$0x1] =	stream.linear.gather [hbm4b:s25+s2], $0x80, $0x38;
	[tilespmem:$0x880] =	vst v63  }
0x9c: {  	s29 =	sadd.s32 s5, s26;
	s30 =	sand.u32 $0x1FFFFFF0, s28;
	s31 =	spop (v2sf)  }
0x9d: {  	(v2sf) =	vpush v0, $0xC;
	[tilespmem:s20], [sflag:$0x1] =	stream.linear.gather [hbm4b:s29+s2], $0x80, $0x38;
	[tilespmem:$0x880] =	vst v63  }
0x9e: {  	s22 =	sadd.s32 s5, s30;
	s23 =	sand.u32 $0x1FFFFFF0, s31;
	s24 =	spop (v2sf)  }
0x9f: {  	(v2sf) =	vpush v0, $0xD;
	[tilespmem:s19], [sflag:$0x1] =	stream.linear.gather [hbm4b:s22+s2], $0x80, $0x38;
	[tilespmem:$0x880] =	vst v63  }
0xa0: {  	s25 =	sadd.s32 s5, s23;
	s26 =	sand.u32 $0x1FFFFFF0, s24;
	s28 =	spop (v2sf)  }
0xa1: {  	(v2sf) =	vpush v0, $0xE;
	[tilespmem:s18], [sflag:$0x1] =	stream.linear.gather [hbm4b:s25+s2], $0x80, $0x38;
	[tilespmem:$0x880] =	vst v63  }
0xa2: {  	s29 =	sadd.s32 s5, s26;
	s30 =	sand.u32 $0x1FFFFFF0, s28;
	s31 =	spop (v2sf)  }
0xa3: {  	(v2sf) =	vpush v0, $0xF;
	[tilespmem:s17], [sflag:$0x1] =	stream.linear.gather [hbm4b:s29+s2], $0x80, $0x38;
	[tilespmem:$0x880] =	vst v63  }
0xa4: {  	s20 =	sand.u32 $0x1FFFFFF0, s31;
	s21 =	spop (v2sf);
	s19 =	sadd.s32 s5, s30  }
0xa5: {  	[tilespmem:s16], [sflag:$0x1] =	stream.linear.gather [hbm4b:s19+s2], $0x80, $0x38;
	[tilespmem:$0x880] =	vst v63  }
0xa6: {  	s22 =	sadd.s32 s5, s20;
	s23 =	sand.u32 $0x1FFFFFF0, s21;
	s24 =	spop (v2sf)  }
0xa7: {  	[tilespmem:s15], [sflag:$0x1] =	stream.linear.gather [hbm4b:s22+s2], $0x80, $0x38;
	[tilespmem:$0x880] =	vst v63  }
0xa8: {  	s25 =	sadd.s32 s5, s23;
	s26 =	sand.u32 $0x1FFFFFF0, s24;
	s28 =	spop (v2sf)  }
0xa9: {  	[tilespmem:s14], [sflag:$0x1] =	stream.linear.gather [hbm4b:s25+s2], $0x80, $0x38;
	[tilespmem:$0x880] =	vst v63  }
0xaa: {  	s29 =	sadd.s32 s5, s26;
	s30 =	sand.u32 $0x1FFFFFF0, s28;
	s31 =	spop (v2sf)  }
0xab: {  	[tilespmem:s13], [sflag:$0x1] =	stream.linear.gather [hbm4b:s29+s2], $0x80, $0x38;
	[tilespmem:$0x880] =	vst v63  }
0xac: {  	s14 =	sadd.s32 s5, s30;
	s15 =	sand.u32 $0x1FFFFFF0, s31;
	s16 =	spop (v2sf)  }
0xad: {  	[tilespmem:s12], [sflag:$0x1] =	stream.linear.gather [hbm4b:s14+s2], $0x80, $0x38;
	[tilespmem:$0x880] =	vst v63  }
0xae: {  	s17 =	sadd.s32 s5, s15;
	s18 =	sand.u32 $0x1FFFFFF0, s16;
	s19 =	spop (v2sf)  }
0xaf: {  	[tilespmem:s11], [sflag:$0x1] =	stream.linear.gather [hbm4b:s17+s2], $0x80, $0x38;
	[tilespmem:$0x880] =	vst v63  }
0xb0: {  	s20 =	sadd.s32 s5, s18;
	s21 =	sand.u32 $0x1FFFFFF0, s19;
	s22 =	spop (v2sf)  }
0xb1: {  	[tilespmem:s10], [sflag:$0x1] =	stream.linear.gather [hbm4b:s20+s2], $0x80, $0x38;
	[tilespmem:$0x880] =	vst v63  }
0xb2: {  	s23 =	sadd.s32 s5, s21;
	s24 =	sand.u32 $0x1FFFFFF0, s22;
	s25 =	spop (v2sf)  }
0xb3: {  	[tilespmem:s9], [sflag:$0x1] =	stream.linear.gather [hbm4b:s23+s2], $0x80, $0x38;
	[tilespmem:$0x880] =	vst v63  }
0xb4: {  	s8 =	rddreg [dreg:$0x12];
	s26 =	sadd.s32 s5, s24;
	s28 =	sand.u32 $0x1FFFFFF0, s25  }
0xb5: {  	[tilespmem:s8], [sflag:$0x1] =	stream.linear.gather [hbm4b:s26+s2], $0x80, $0x38;
	[tilespmem:$0x880] =	vst v63  }
0xb6: {  	s29 =	rddreg [dreg:$0x13];
	s30 =	sadd.s32 s5, s28  }
0xb7: {  	[tilespmem:s29], [sflag:$0x1] =	stream.linear.gather [hbm4b:s30+s2], $0x80, $0x38;
	[tilespmem:$0x880] =	vst v63  }
0xb8: {  	_ =	swait.ge [sflag:s6], $0x80  }
0xb9: {  	[sflag:s6] =	ssyncset.done $0x0  }
0xba: {  	[sflag:s6] =	ssyncadd.s32 $0xFFFFFF80  }
0xbb: {  	_ =	swait.ge [sflag:s6], $0x80  }
0xbc: {  	[sflag:s6] =	ssyncset.done $0x0  }
0xbd: {  	[sflag:s6] =	ssyncadd.s32 $0xFFFFFF80  }
0xbe: {  	_ =	swait.ge [sflag:s6], $0x80  }
0xbf: {  	[sflag:s6] =	ssyncset.done $0x0  }
0xc0: {  	[sflag:s6] =	ssyncadd.s32 $0xFFFFFF80  }
0xc1: {  	_ =	swait.ge [sflag:s6], $0x80  }
0xc2: {  	[sflag:s6] =	ssyncset.done $0x0  }
0xc3: {  	[sflag:s6] =	ssyncadd.s32 $0xFFFFFF80  }
0xc4: {  	_ =	swait.ge [sflag:s6], $0x80  }
0xc5: {  	[sflag:s6] =	ssyncset.done $0x0  }
0xc6: {  	[sflag:s6] =	ssyncadd.s32 $0xFFFFFF80  }
0xc7: {  	_ =	swait.ge [sflag:s6], $0x80  }
0xc8: {  	[sflag:s6] =	ssyncset.done $0x0  }
0xc9: {  	[sflag:s6] =	ssyncadd.s32 $0xFFFFFF80  }
0xca: {  	_ =	swait.ge [sflag:s6], $0x80  }
0xcb: {  	[sflag:s6] =	ssyncset.done $0x0  }
0xcc: {  	[sflag:s6] =	ssyncadd.s32 $0xFFFFFF80  }
0xcd: {  	_ =	swait.ge [sflag:s6], $0x80  }
0xce: {  	[sflag:s6] =	ssyncset.done $0x0  }
0xcf: {  	[sflag:s6] =	ssyncadd.s32 $0xFFFFFF80  }
0xd0: {  	_ =	swait.ge [sflag:s6], $0x80  }
0xd1: {  	[sflag:s6] =	ssyncset.done $0x0  }
0xd2: {  	[sflag:s6] =	ssyncadd.s32 $0xFFFFFF80  }
0xd3: {  	_ =	swait.ge [sflag:s6], $0x80  }
0xd4: {  	[sflag:s6] =	ssyncset.done $0x0  }
0xd5: {  	[sflag:s6] =	ssyncadd.s32 $0xFFFFFF80  }
0xd6: {  	_ =	swait.ge [sflag:s6], $0x80  }
0xd7: {  	[sflag:s6] =	ssyncset.done $0x0  }
0xd8: {  	[sflag:s6] =	ssyncadd.s32 $0xFFFFFF80  }
0xd9: {  	_ =	swait.ge [sflag:s6], $0x80  }
0xda: {  	[sflag:s6] =	ssyncset.done $0x0  }
0xdb: {  	[sflag:s6] =	ssyncadd.s32 $0xFFFFFF80  }
0xdc: {  	_ =	swait.ge [sflag:s6], $0x80  }
0xdd: {  	[sflag:s6] =	ssyncset.done $0x0  }
0xde: {  	[sflag:s6] =	ssyncadd.s32 $0xFFFFFF80  }
0xdf: {  	_ =	swait.ge [sflag:s6], $0x80  }
0xe0: {  	[sflag:s6] =	ssyncset.done $0x0  }
0xe1: {  	[sflag:s6] =	ssyncadd.s32 $0xFFFFFF80  }
0xe2: {  	_ =	swait.ge [sflag:s6], $0x80  }
0xe3: {  	[sflag:s6] =	ssyncset.done $0x0  }
0xe4: {  	[sflag:s6] =	ssyncadd.s32 $0xFFFFFF80  }
0xe5: {  	p1 =	sne.s32 s7, $0x1;
	_ =	swait.ge [sflag:s6], $0x80  }
.Ltmp2:
0xe6: {  	[sflag:s6] =	ssyncset.done $0x0;
	(pc) =	sbr.rel @p1 .LBB2_2-.Ltmp2, $4  }
0xe7: {  	s31 =	rddreg [dreg:$0x4];
	[sflag:s6] =	ssyncadd.s32 $0xFFFFFF80  }
0xe8: {  	[hbm4b:s31+s2] =	stream.linear.scatter [tilespmem:s4], [sflag:$0x2], $0x800, $0x38;
	[tilespmem:$0x880] =	vst v63  }
0xe9: {  	_ =	swait.ge [sflag:s3], $0x800  }
0xea: {  	s7 =	sadd.s32 $0xFFFFFFFF, s7;
	s8 =	rddreg [dreg:$0x3];
	[sflag:s3] =	ssyncset.done $0x0  }
.LBB2_3:
0xeb: {  	[sflag:s3] =	ssyncadd.s32 @p0 $0xFFFFF800  }
0xec: {  	[tilespmem:s2], [sflag:$0x2] =	stream.linear.gather [hbm4b:s8+s2], $0x10, $0x38;
	[tilespmem:$0x880] =	vst v63  }
0xed: {  	_ =	swait.ge [sflag:s3], $0x10  }
0xee: {  	[sflag:s3] =	ssyncset.done $0x0  }
0xef: {  	[sflag:s3] =	ssyncadd.s32 $0xFFFFFFF0  }
0xf0: {  	v0 =	vld [tilespmem:$0x0];
	_ =	sdelay $0x4  }
0xf1: {  	v0 =	vshll.u32 v0, $0x4  }
0xf2: {  	(v2sf) =	vpush v0, $0x0  }
0xf3: {  	(v2sf) =	vpush v0, $0x1  }
0xf4: {  	(v2sf) =	vpush v0, $0x2;
	_ =	sdelay $0x1  }
0xf5: {  	s8 =	rddreg [dreg:$0x11];
	(v2sf) =	vpush v0, $0x3  }
0xf6: {  	s9 =	rddreg [dreg:$0x10]  }
0xf7: {  	s10 =	rddreg [dreg:$0xf];
	(v2sf) =	vpush v0, $0x4  }
0xf8: {  	s11 =	rddreg [dreg:$0xe]  }
0xf9: {  	s12 =	rddreg [dreg:$0xd];
	(v2sf) =	vpush v0, $0x5  }
0xfa: {  	s13 =	rddreg [dreg:$0xc]  }
0xfb: {  	s14 =	rddreg [dreg:$0xb];
	(v2sf) =	vpush v0, $0x6  }
0xfc: {  	s15 =	rddreg [dreg:$0xa]  }
0xfd: {  	s16 =	rddreg [dreg:$0x9];
	(v2sf) =	vpush v0, $0x7  }
0xfe: {  	s17 =	rddreg [dreg:$0x8]  }
0xff: {  	s18 =	rddreg [dreg:$0x7];
	(v2sf) =	vpush v0, $0x8  }
0x100: {  	s19 =	rddreg [dreg:$0x6];
	s20 =	spop (v2sf)  }
0x101: {  	s21 =	rddreg [dreg:$0x5];
	(v2sf) =	vpush v0, $0x9;
	s20 =	sand.u32 $0x1FFFFFF0, s20;
	s22 =	spop (v2sf)  }
0x102: {  	s20 =	sadd.s32 s5, s20;
	s22 =	sand.u32 $0x1FFFFFF0, s22;
	s23 =	spop (v2sf)  }
0x103: {  	(v2sf) =	vpush v0, $0xA;
	[tilespmem:s4], [sflag:$0x1] =	stream.linear.gather [hbm4b:s20+s2], $0x80, $0x38;
	[tilespmem:$0x880] =	vst v63  }
0x104: {  	s25 =	sadd.s32 s5, s22;
	s26 =	sand.u32 $0x1FFFFFF0, s23;
	s28 =	spop (v2sf)  }
0x105: {  	(v2sf) =	vpush v0, $0xB;
	[tilespmem:s21], [sflag:$0x1] =	stream.linear.gather [hbm4b:s25+s2], $0x80, $0x38;
	[tilespmem:$0x880] =	vst v63  }
0x106: {  	s29 =	sadd.s32 s5, s26;
	s30 =	sand.u32 $0x1FFFFFF0, s28;
	s31 =	spop (v2sf)  }
0x107: {  	(v2sf) =	vpush v0, $0xC;
	[tilespmem:s19], [sflag:$0x1] =	stream.linear.gather [hbm4b:s29+s2], $0x80, $0x38;
	[tilespmem:$0x880] =	vst v63  }
0x108: {  	s21 =	sadd.s32 s5, s30;
	s23 =	sand.u32 $0x1FFFFFF0, s31;
	s24 =	spop (v2sf)  }
0x109: {  	(v2sf) =	vpush v0, $0xD;
	[tilespmem:s18], [sflag:$0x1] =	stream.linear.gather [hbm4b:s21+s2], $0x80, $0x38;
	[tilespmem:$0x880] =	vst v63  }
0x10a: {  	s25 =	sadd.s32 s5, s23;
	s26 =	sand.u32 $0x1FFFFFF0, s24;
	s28 =	spop (v2sf)  }
0x10b: {  	(v2sf) =	vpush v0, $0xE;
	[tilespmem:s17], [sflag:$0x1] =	stream.linear.gather [hbm4b:s25+s2], $0x80, $0x38;
	[tilespmem:$0x880] =	vst v63  }
0x10c: {  	s29 =	sadd.s32 s5, s26;
	s30 =	sand.u32 $0x1FFFFFF0, s28;
	s31 =	spop (v2sf)  }
0x10d: {  	(v2sf) =	vpush v0, $0xF;
	[tilespmem:s16], [sflag:$0x1] =	stream.linear.gather [hbm4b:s29+s2], $0x80, $0x38;
	[tilespmem:$0x880] =	vst v63  }
0x10e: {  	s20 =	sand.u32 $0x1FFFFFF0, s31;
	s18 =	sadd.s32 s5, s30;
	s21 =	spop (v2sf)  }
0x10f: {  	[tilespmem:s15], [sflag:$0x1] =	stream.linear.gather [hbm4b:s18+s2], $0x80, $0x38;
	[tilespmem:$0x880] =	vst v63  }
0x110: {  	s22 =	sadd.s32 s5, s20;
	s23 =	sand.u32 $0x1FFFFFF0, s21;
	s24 =	spop (v2sf)  }
0x111: {  	[tilespmem:s14], [sflag:$0x1] =	stream.linear.gather [hbm4b:s22+s2], $0x80, $0x38;
	[tilespmem:$0x880] =	vst v63  }
0x112: {  	s25 =	sadd.s32 s5, s23;
	s26 =	sand.u32 $0x1FFFFFF0, s24;
	s28 =	spop (v2sf)  }
0x113: {  	[tilespmem:s13], [sflag:$0x1] =	stream.linear.gather [hbm4b:s25+s2], $0x80, $0x38;
	[tilespmem:$0x880] =	vst v63  }
0x114: {  	s29 =	sadd.s32 s5, s26;
	s30 =	sand.u32 $0x1FFFFFF0, s28;
	s31 =	spop (v2sf)  }
0x115: {  	[tilespmem:s12], [sflag:$0x1] =	stream.linear.gather [hbm4b:s29+s2], $0x80, $0x38;
	[tilespmem:$0x880] =	vst v63  }
0x116: {  	s14 =	sadd.s32 s5, s30;
	s15 =	sand.u32 $0x1FFFFFF0, s31;
	s16 =	spop (v2sf)  }
0x117: {  	[tilespmem:s11], [sflag:$0x1] =	stream.linear.gather [hbm4b:s14+s2], $0x80, $0x38;
	[tilespmem:$0x880] =	vst v63  }
0x118: {  	s17 =	sadd.s32 s5, s15;
	s18 =	sand.u32 $0x1FFFFFF0, s16;
	s19 =	spop (v2sf)  }
0x119: {  	[tilespmem:s10], [sflag:$0x1] =	stream.linear.gather [hbm4b:s17+s2], $0x80, $0x38;
	[tilespmem:$0x880] =	vst v63  }
0x11a: {  	s20 =	sadd.s32 s5, s18;
	s21 =	sand.u32 $0x1FFFFFF0, s19;
	s22 =	spop (v2sf)  }
0x11b: {  	[tilespmem:s9], [sflag:$0x1] =	stream.linear.gather [hbm4b:s20+s2], $0x80, $0x38;
	[tilespmem:$0x880] =	vst v63  }
0x11c: {  	s23 =	sadd.s32 s5, s21;
	s24 =	sand.u32 $0x1FFFFFF0, s22;
	s25 =	spop (v2sf)  }
0x11d: {  	[tilespmem:s8], [sflag:$0x1] =	stream.linear.gather [hbm4b:s23+s2], $0x80, $0x38;
	[tilespmem:$0x880] =	vst v63  }
0x11e: {  	s7 =	rddreg [dreg:$0x12];
	s26 =	sadd.s32 s5, s24;
	s28 =	sand.u32 $0x1FFFFFF0, s25  }
0x11f: {  	[tilespmem:s7], [sflag:$0x1] =	stream.linear.gather [hbm4b:s26+s2], $0x80, $0x38;
	[tilespmem:$0x880] =	vst v63  }
0x120: {  	s29 =	rddreg [dreg:$0x13];
	s30 =	sadd.s32 s5, s28  }
0x121: {  	[tilespmem:s29], [sflag:$0x1] =	stream.linear.gather [hbm4b:s30+s2], $0x80, $0x38;
	[tilespmem:$0x880] =	vst v63  }
0x122: {  	_ =	swait.ge [sflag:s6], $0x80  }
0x123: {  	[sflag:s6] =	ssyncset.done $0x0  }
0x124: {  	[sflag:s6] =	ssyncadd.s32 $0xFFFFFF80  }
0x125: {  	_ =	swait.ge [sflag:s6], $0x80  }
0x126: {  	[sflag:s6] =	ssyncset.done $0x0  }
0x127: {  	[sflag:s6] =	ssyncadd.s32 $0xFFFFFF80  }
0x128: {  	_ =	swait.ge [sflag:s6], $0x80  }
0x129: {  	[sflag:s6] =	ssyncset.done $0x0  }
0x12a: {  	[sflag:s6] =	ssyncadd.s32 $0xFFFFFF80  }
0x12b: {  	_ =	swait.ge [sflag:s6], $0x80  }
0x12c: {  	[sflag:s6] =	ssyncset.done $0x0  }
0x12d: {  	[sflag:s6] =	ssyncadd.s32 $0xFFFFFF80  }
0x12e: {  	_ =	swait.ge [sflag:s6], $0x80  }
0x12f: {  	[sflag:s6] =	ssyncset.done $0x0  }
0x130: {  	[sflag:s6] =	ssyncadd.s32 $0xFFFFFF80  }
0x131: {  	_ =	swait.ge [sflag:s6], $0x80  }
0x132: {  	[sflag:s6] =	ssyncset.done $0x0  }
0x133: {  	[sflag:s6] =	ssyncadd.s32 $0xFFFFFF80  }
0x134: {  	_ =	swait.ge [sflag:s6], $0x80  }
0x135: {  	[sflag:s6] =	ssyncset.done $0x0  }
0x136: {  	[sflag:s6] =	ssyncadd.s32 $0xFFFFFF80  }
0x137: {  	_ =	swait.ge [sflag:s6], $0x80  }
0x138: {  	[sflag:s6] =	ssyncset.done $0x0  }
0x139: {  	[sflag:s6] =	ssyncadd.s32 $0xFFFFFF80  }
0x13a: {  	_ =	swait.ge [sflag:s6], $0x80  }
0x13b: {  	[sflag:s6] =	ssyncset.done $0x0  }
0x13c: {  	[sflag:s6] =	ssyncadd.s32 $0xFFFFFF80  }
0x13d: {  	_ =	swait.ge [sflag:s6], $0x80  }
0x13e: {  	[sflag:s6] =	ssyncset.done $0x0  }
0x13f: {  	[sflag:s6] =	ssyncadd.s32 $0xFFFFFF80  }
0x140: {  	_ =	swait.ge [sflag:s6], $0x80  }
0x141: {  	[sflag:s6] =	ssyncset.done $0x0  }
0x142: {  	[sflag:s6] =	ssyncadd.s32 $0xFFFFFF80  }
0x143: {  	_ =	swait.ge [sflag:s6], $0x80  }
0x144: {  	[sflag:s6] =	ssyncset.done $0x0  }
0x145: {  	[sflag:s6] =	ssyncadd.s32 $0xFFFFFF80  }
0x146: {  	_ =	swait.ge [sflag:s6], $0x80  }
0x147: {  	[sflag:s6] =	ssyncset.done $0x0  }
0x148: {  	[sflag:s6] =	ssyncadd.s32 $0xFFFFFF80  }
0x149: {  	_ =	swait.ge [sflag:s6], $0x80  }
0x14a: {  	[sflag:s6] =	ssyncset.done $0x0  }
0x14b: {  	[sflag:s6] =	ssyncadd.s32 $0xFFFFFF80  }
0x14c: {  	_ =	swait.ge [sflag:s6], $0x80  }
0x14d: {  	[sflag:s6] =	ssyncset.done $0x0  }
0x14e: {  	[sflag:s6] =	ssyncadd.s32 $0xFFFFFF80  }
0x14f: {  	_ =	swait.ge [sflag:s6], $0x80  }
0x150: {  	[sflag:s6] =	ssyncset.done $0x0  }
0x151: {  	s31 =	rddreg [dreg:$0x4];
	[sflag:s6] =	ssyncadd.s32 $0xFFFFFF80  }
0x152: {  	[hbm4b:s31+s2] =	stream.linear.scatter [tilespmem:s4], [sflag:$0x2], $0x800, $0x38;
	[tilespmem:$0x880] =	vst v63  }
0x153: {  	_ =	swait.ge [sflag:s3], $0x800  }
0x154: {  	[sflag:s3] =	ssyncset.done $0x0  }
0x155: {  	[sflag:s3] =	ssyncadd.s32 $0xFFFFF800  }
0x156: {  	_ =	sfence.sel $0x180000  }
0x157: {  	[bflag:$0x0] =	sbarrier.arrive $0xFFFF  }
0x158: {  	p0 =	sne.s32 s0, $0x0;
	_ =	strace $0x90000047  }
0x159: {  	s0 =	sadd.s32 @!p0 $0x100000, s1;
	[bflag:$0x2] =	sbarrier.arrive $0xFFFF  }
0x15a: {  	[sflag:s0] =	ssyncadd.tile.s32 @!p0 $0x1;
	_ =	shalt  }
.Lfunc_end2:
_tile_overlayer_lowered:
.L_overlay_start_2:
0x15b: {  	(tag) =	ssettag $0x2  }
0x15c: {  	s0 =	rddreg [dreg:$0x0];
	s2 =	stileid.u32  }
0x15d: {  	s1 =	rddreg [dreg:$0x1];
	p0 =	sne.s32 s2, $0x0  }
0x15e: {  	s3 =	rddreg [dreg:$0x2];
	[bflag:$0x3] =	sbarrier.arrive $0xFFFF;
	s2 =	simm.s32 @!p0 $0x1C02  }
0x15f: {  	[timem:s3], [sflag:s2] =	dma.local @!p0 [hbm:s0], s1  }
0x160: {  	s0 =	simm.s32 @!p0 $0x2  }
0x161: {  	_ =	swait.ge @!p0 [sflag:s0], s1  }
0x162: {  	s1 =	ssub.s32 @!p0 $0x0, s1;
	[sflag:s0] =	ssyncset.done @!p0 $0x0  }
0x163: {  	[sflag:s0] =	ssyncadd.s32 @!p0 s1  }
0x164: {  	[bflag:$0x3] =	sbarrier.arrive $0xFFFF  }
0x165: {  	_ =	shalt  }

</sc_bundles>
